<compile_context>
chip_gen: v7x
topology: tpu7x:2x2x1
jax: 0.10.2.dev20260603
libtpu: 0.0.44.dev20260713+nightly
codegen_flags: <defaults>
</compile_context>

<pallas_src>
import functools

import jax
import jax.numpy as jnp
from jax import lax
from jax.experimental import pallas as pl
from jax.experimental.pallas import tpu as pltpu
from jax.experimental.pallas import tpu_sc as plsc

_RING = 8
_LANE = 16


@functools.lru_cache(maxsize=None)
def _build(B, V, D):
    info = plsc.get_sparse_core_info()
    NC, NS = info.num_cores, info.num_subcores
    NW = NC * NS
    b_per_w = B // NW
    n_waves = b_per_w // _RING
    mesh = plsc.VectorSubcoreMesh(core_axis_name="c", subcore_axis_name="s")

    @functools.partial(
        pl.kernel,
        mesh=mesh,
        out_type=jax.ShapeDtypeStruct((D, B), jnp.float32),
        scratch_types=[
            pltpu.VMEM((b_per_w + _LANE,), jnp.int32),
            pltpu.VMEM((_RING, D, 128), jnp.float32),
            pltpu.VMEM((D, b_per_w), jnp.float32),
        ]
        + [pltpu.SemaphoreType.DMA] * _RING,
        compiler_params=pltpu.CompilerParams(needs_layout_passes=False),
    )
    def emb(idx_hbm, table_t_hbm, out_hbm, idx_v, blk_v, pan_v, *sems):
        wid = lax.axis_index("s") * NC + lax.axis_index("c")
        base = wid * b_per_w
        pltpu.sync_copy(idx_hbm.at[pl.ds(base, b_per_w)],
                        idx_v.at[pl.ds(0, b_per_w)])
        c16 = lax.iota(jnp.int32, _LANE)

        def fire(r, j):
            qb = pl.multiple_of(r - (r & 127), 128)
            pltpu.async_copy(
                table_t_hbm.at[:, pl.ds(qb, 128)], blk_v.at[j], sems[j]
            )

        def drain(j):
            pltpu.make_async_copy(
                table_t_hbm.at[:, pl.ds(0, 128)], blk_v.at[j], sems[j]
            ).wait()

        def extract(r, t, j):
            col = jnp.full((_LANE,), r & 127, jnp.int32)
            tcol = jnp.full((_LANE,), t, jnp.int32)
            for h in range(D // _LANE):
                v = plsc.load_gather(blk_v.at[j], [c16 + h * _LANE, col])
                plsc.store_scatter(pan_v, [c16 + h * _LANE, tcol], v)

        ids0 = idx_v[pl.ds(0, _LANE)]
        for j in range(_RING):
            fire(ids0[j], j)

        def wave(k, _):
            idsp = idx_v[pl.ds((k - 1) * _RING, _LANE)]
            idsn = idx_v[pl.ds(k * _RING, _LANE)]
            for j in range(_RING):
                drain(j)
                extract(idsp[j], (k - 1) * _RING + j, j)

                @pl.when(k < n_waves)
                def _():
                    fire(idsn[j], j)

            return ()

        lax.fori_loop(1, n_waves + 1, wave, (), unroll=False)
        pltpu.sync_copy(pan_v, out_hbm.at[:, pl.ds(base, b_per_w)])

    return emb


def kernel(token_id, embedding_table):
    B = token_id.shape[0]
    V, D = embedding_table.shape
    out_t = _build(B, V, D)(token_id, embedding_table.T)
    return out_t.T

# --- scband reference (transcript-rebuilt; emitter-appended) ---
"""Pipeline reference for scband-token-embedding-10282151707434 (READ-ONLY COPY).

The authoritative reference and input builder live on the scoring server;
editing this copy changes nothing except your own understanding.
"""

import jax, jax.numpy as jnp
import numpy as np

VOCAB = 1000000
DIM = 32
BATCH = 16384

def setup_inputs(seed: int = 0) -> dict:
    key = jax.random.key(seed)
    k_idx, k_tab = jax.random.split(key)
    token_id = jax.random.randint(k_idx, (BATCH,), 0, VOCAB, dtype=jnp.int64 if jax.config.read('jax_enable_x64') else jnp.int32).astype(jnp.int32)
    # nn.Embedding default init: N(0, 1)
    embedding_table = jax.random.normal(k_tab, (VOCAB, DIM), dtype=jnp.float32)
    return {"token_id": token_id, "embedding_table": embedding_table}

def reference(token_id, embedding_table):
    # TokenEmbedding.forward: graph.ndata['token_embeds'] = self.token_embedding(graph.ndata['token_id'])
    # The core computation is a row-gather from the embedding table.
    token_embeds = jnp.take(embedding_table, token_id, axis=0)
    return token_embeds

if __name__ == "__main__":
    import jax
    _d = setup_inputs()
    print(jax.jit(kernel)(*tuple(_d.values())))

</pallas_src>

<mosaic_0001>
#map = affine_map<(d0, d1) -> (0)>
#map1 = affine_map<(d0, d1) -> (0, 0)>
module attributes {stable_mosaic.version = 14 : i64} {
  func.func @emb(%arg0: i32, %arg1: i32, %arg2: memref<16384xi32, #tpu.memory_space<hbm>>, %arg3: memref<32x1000000xf32, #tpu.memory_space<hbm>>, %arg4: memref<32x16384xf32, #tpu.memory_space<hbm>>, %arg5: memref<528xi32, #tpu.memory_space<vmem>>, %arg6: memref<8x32x128xf32, #tpu.memory_space<vmem>>, %arg7: memref<32x512xf32, #tpu.memory_space<vmem>>, %arg8: memref<!tpu.dma_semaphore, #tpu.memory_space<semaphore_mem>>, %arg9: memref<!tpu.dma_semaphore, #tpu.memory_space<semaphore_mem>>, %arg10: memref<!tpu.dma_semaphore, #tpu.memory_space<semaphore_mem>>, %arg11: memref<!tpu.dma_semaphore, #tpu.memory_space<semaphore_mem>>, %arg12: memref<!tpu.dma_semaphore, #tpu.memory_space<semaphore_mem>>, %arg13: memref<!tpu.dma_semaphore, #tpu.memory_space<semaphore_mem>>, %arg14: memref<!tpu.dma_semaphore, #tpu.memory_space<semaphore_mem>>, %arg15: memref<!tpu.dma_semaphore, #tpu.memory_space<semaphore_mem>>) attributes {dimension_semantics = [#tpu.dimension_semantics<core_parallel>, #tpu.dimension_semantics<subcore_parallel>], iteration_bounds = array<i64: 2, 16>, scalar_prefetch = 0 : i64, scratch_operands = 11 : i64, tpu.core_type = #tpu.core_type<sc_vector_subcore>, window_params = [{transform_indices = #map}, {transform_indices = #map1}, {transform_indices = #map1}]} {
    %mul3A = arith.constant 2 : i32
    %mul3A_0 = arith.muli %arg1, %mul3A : i32
    %add3A = arith.addi %mul3A_0, %arg0 : i32
    %mul3A_1 = arith.constant 512 : i32
    %mul3A_2 = arith.muli %add3A, %mul3A_1 : i32
    "tpu.region"() ({
      %run_scoped3A = tpu.sem_alloc : memref<!tpu.dma_semaphore, #tpu.memory_space<semaphore_mem>>
      %dma_start3A_154 = arith.constant 0 : i32
      %dma_start3A_155 = tpu.memref_slice %arg5[%dma_start3A_154] : memref<528xi32, #tpu.memory_space<vmem>> -> memref<512xi32, #tpu.memory_space<vmem>>
      %dma_start3A_156 = tpu.memref_slice %arg2[%mul3A_2] : memref<16384xi32, #tpu.memory_space<hbm>> -> memref<512xi32, #tpu.memory_space<hbm>>
      %dma_start3A_157 = arith.constant 0 : i32
      %dma_start3A_158 = tpu.memref_slice %arg5[%dma_start3A_157] : memref<528xi32, #tpu.memory_space<vmem>> -> memref<512xi32, #tpu.memory_space<vmem>>
      %dma_start3A_159 = tpu.memref_slice %arg2[%mul3A_2] : memref<16384xi32, #tpu.memory_space<hbm>> -> memref<512xi32, #tpu.memory_space<hbm>>
      tpu.enqueue_dma source(%dma_start3A_159 : memref<512xi32, #tpu.memory_space<hbm>>) target(%dma_start3A_158 : memref<512xi32, #tpu.memory_space<vmem>>) target_semaphore(%run_scoped3A : memref<!tpu.dma_semaphore, #tpu.memory_space<semaphore_mem>>)
      %dma_wait3A = arith.constant 0 : i32
      %dma_wait3A_160 = tpu.memref_slice %arg5[%dma_wait3A] : memref<528xi32, #tpu.memory_space<vmem>> -> memref<512xi32, #tpu.memory_space<vmem>>
      %dma_wait3A_161 = tpu.memref_slice %arg2[%mul3A_2] : memref<16384xi32, #tpu.memory_space<hbm>> -> memref<512xi32, #tpu.memory_space<hbm>>
      %dma_wait3A_162 = arith.constant 0 : i32
      %dma_wait3A_163 = tpu.memref_slice %arg5[%dma_wait3A_162] : memref<528xi32, #tpu.memory_space<vmem>> -> memref<512xi32, #tpu.memory_space<vmem>>
      %dma_wait3A_164 = tpu.memref_slice %arg2[%mul3A_2] : memref<16384xi32, #tpu.memory_space<hbm>> -> memref<512xi32, #tpu.memory_space<hbm>>
      tpu.wait_dma2 semaphore(%run_scoped3A : memref<!tpu.dma_semaphore, #tpu.memory_space<semaphore_mem>>) src(%dma_wait3A_164 : memref<512xi32, #tpu.memory_space<hbm>>) dst(%dma_wait3A_163 : memref<512xi32, #tpu.memory_space<vmem>>)
      tpu.yield
    }) : () -> ()
    %iota3A = tpu.iota {dimensions = array<i32: 0>} : vector<16xi32>
    %get3A = arith.constant 0 : index
    %get3A_3 = tpu.vector_load %arg5[%get3A] {strides = array<i32>} : memref<528xi32, #tpu.memory_space<vmem>>, vector<16xi32>,
    %slice3A = vector.extract_strided_slice %get3A_3 {offsets = [0], sizes = [1], strides = [1]} : vector<16xi32> to vector<1xi32>
    %squeeze3A = vector.extract %slice3A[0] : i32 from vector<1xi32>
    %and3A = arith.constant 127 : i32
    %and3A_4 = arith.andi %squeeze3A, %and3A : i32
    %sub3A = arith.subi %squeeze3A, %and3A_4 : i32
    %multiple_of3A = tpu.assume_multiple %sub3A, 128 : i32
    %dma_start3A = arith.constant 0 : i32
    %dma_start3A_5 = arith.constant 0 : i32
    %dma_start3A_6 = arith.constant 0 : i32
    %dma_start3A_7 = tpu.memref_slice %arg6[%dma_start3A, %dma_start3A_5, %dma_start3A_6] : memref<8x32x128xf32, #tpu.memory_space<vmem>> -> memref<1x32x128xf32, #tpu.memory_space<vmem>>
    %dma_start3A_8 = tpu.memref_squeeze %dma_start3A_7 : memref<1x32x128xf32, #tpu.memory_space<vmem>> -> memref<32x128xf32, #tpu.memory_space<vmem>>
    %dma_start3A_9 = arith.constant 0 : i32
    %dma_start3A_10 = tpu.memref_slice %arg3[%dma_start3A_9, %multiple_of3A] : memref<32x1000000xf32, #tpu.memory_space<hbm>> -> memref<32x128xf32, #tpu.memory_space<hbm>>
    %dma_start3A_11 = arith.constant 0 : i32
    %dma_start3A_12 = arith.constant 0 : i32
    %dma_start3A_13 = tpu.memref_slice %arg6[%dma_start3A, %dma_start3A_11, %dma_start3A_12] : memref<8x32x128xf32, #tpu.memory_space<vmem>> -> memref<1x32x128xf32, #tpu.memory_space<vmem>>
    %dma_start3A_14 = tpu.memref_squeeze %dma_start3A_13 : memref<1x32x128xf32, #tpu.memory_space<vmem>> -> memref<32x128xf32, #tpu.memory_space<vmem>>
    %dma_start3A_15 = arith.constant 0 : i32
    %dma_start3A_16 = tpu.memref_slice %arg3[%dma_start3A_15, %multiple_of3A] : memref<32x1000000xf32, #tpu.memory_space<hbm>> -> memref<32x128xf32, #tpu.memory_space<hbm>>
    tpu.enqueue_dma source(%dma_start3A_16 : memref<32x128xf32, #tpu.memory_space<hbm>>) target(%dma_start3A_14 : memref<32x128xf32, #tpu.memory_space<vmem>>) target_semaphore(%arg8 : memref<!tpu.dma_semaphore, #tpu.memory_space<semaphore_mem>>)
    %slice3A_17 = vector.extract_strided_slice %get3A_3 {offsets = [1], sizes = [1], strides = [1]} : vector<16xi32> to vector<1xi32>
    %squeeze3A_18 = vector.extract %slice3A_17[0] : i32 from vector<1xi32>
    %and3A_19 = arith.constant 127 : i32
    %and3A_20 = arith.andi %squeeze3A_18, %and3A_19 : i32
    %sub3A_21 = arith.subi %squeeze3A_18, %and3A_20 : i32
    %multiple_of3A_22 = tpu.assume_multiple %sub3A_21, 128 : i32
    %dma_start3A_23 = arith.constant 1 : i32
    %dma_start3A_24 = arith.constant 0 : i32
    %dma_start3A_25 = arith.constant 0 : i32
    %dma_start3A_26 = tpu.memref_slice %arg6[%dma_start3A_23, %dma_start3A_24, %dma_start3A_25] : memref<8x32x128xf32, #tpu.memory_space<vmem>> -> memref<1x32x128xf32, #tpu.memory_space<vmem>>
    %dma_start3A_27 = tpu.memref_squeeze %dma_start3A_26 : memref<1x32x128xf32, #tpu.memory_space<vmem>> -> memref<32x128xf32, #tpu.memory_space<vmem>>
    %dma_start3A_28 = arith.constant 0 : i32
    %dma_start3A_29 = tpu.memref_slice %arg3[%dma_start3A_28, %multiple_of3A_22] : memref<32x1000000xf32, #tpu.memory_space<hbm>> -> memref<32x128xf32, #tpu.memory_space<hbm>>
    %dma_start3A_30 = arith.constant 0 : i32
    %dma_start3A_31 = arith.constant 0 : i32
    %dma_start3A_32 = tpu.memref_slice %arg6[%dma_start3A_23, %dma_start3A_30, %dma_start3A_31] : memref<8x32x128xf32, #tpu.memory_space<vmem>> -> memref<1x32x128xf32, #tpu.memory_space<vmem>>
    %dma_start3A_33 = tpu.memref_squeeze %dma_start3A_32 : memref<1x32x128xf32, #tpu.memory_space<vmem>> -> memref<32x128xf32, #tpu.memory_space<vmem>>
    %dma_start3A_34 = arith.constant 0 : i32
    %dma_start3A_35 = tpu.memref_slice %arg3[%dma_start3A_34, %multiple_of3A_22] : memref<32x1000000xf32, #tpu.memory_space<hbm>> -> memref<32x128xf32, #tpu.memory_space<hbm>>
    tpu.enqueue_dma source(%dma_start3A_35 : memref<32x128xf32, #tpu.memory_space<hbm>>) target(%dma_start3A_33 : memref<32x128xf32, #tpu.memory_space<vmem>>) target_semaphore(%arg9 : memref<!tpu.dma_semaphore, #tpu.memory_space<semaphore_mem>>)
    %slice3A_36 = vector.extract_strided_slice %get3A_3 {offsets = [2], sizes = [1], strides = [1]} : vector<16xi32> to vector<1xi32>
    %squeeze3A_37 = vector.extract %slice3A_36[0] : i32 from vector<1xi32>
    %and3A_38 = arith.constant 127 : i32
    %and3A_39 = arith.andi %squeeze3A_37, %and3A_38 : i32
    %sub3A_40 = arith.subi %squeeze3A_37, %and3A_39 : i32
    %multiple_of3A_41 = tpu.assume_multiple %sub3A_40, 128 : i32
    %dma_start3A_42 = arith.constant 2 : i32
    %dma_start3A_43 = arith.constant 0 : i32
    %dma_start3A_44 = arith.constant 0 : i32
    %dma_start3A_45 = tpu.memref_slice %arg6[%dma_start3A_42, %dma_start3A_43, %dma_start3A_44] : memref<8x32x128xf32, #tpu.memory_space<vmem>> -> memref<1x32x128xf32, #tpu.memory_space<vmem>>
    %dma_start3A_46 = tpu.memref_squeeze %dma_start3A_45 : memref<1x32x128xf32, #tpu.memory_space<vmem>> -> memref<32x128xf32, #tpu.memory_space<vmem>>
    %dma_start3A_47 = arith.constant 0 : i32
    %dma_start3A_48 = tpu.memref_slice %arg3[%dma_start3A_47, %multiple_of3A_41] : memref<32x1000000xf32, #tpu.memory_space<hbm>> -> memref<32x128xf32, #tpu.memory_space<hbm>>
    %dma_start3A_49 = arith.constant 0 : i32
    %dma_start3A_50 = arith.constant 0 : i32
    %dma_start3A_51 = tpu.memref_slice %arg6[%dma_start3A_42, %dma_start3A_49, %dma_start3A_50] : memref<8x32x128xf32, #tpu.memory_space<vmem>> -> memref<1x32x128xf32, #tpu.memory_space<vmem>>
    %dma_start3A_52 = tpu.memref_squeeze %dma_start3A_51 : memref<1x32x128xf32, #tpu.memory_space<vmem>> -> memref<32x128xf32, #tpu.memory_space<vmem>>
    %dma_start3A_53 = arith.constant 0 : i32
    %dma_start3A_54 = tpu.memref_slice %arg3[%dma_start3A_53, %multiple_of3A_41] : memref<32x1000000xf32, #tpu.memory_space<hbm>> -> memref<32x128xf32, #tpu.memory_space<hbm>>
    tpu.enqueue_dma source(%dma_start3A_54 : memref<32x128xf32, #tpu.memory_space<hbm>>) target(%dma_start3A_52 : memref<32x128xf32, #tpu.memory_space<vmem>>) target_semaphore(%arg10 : memref<!tpu.dma_semaphore, #tpu.memory_space<semaphore_mem>>)
    %slice3A_55 = vector.extract_strided_slice %get3A_3 {offsets = [3], sizes = [1], strides = [1]} : vector<16xi32> to vector<1xi32>
    %squeeze3A_56 = vector.extract %slice3A_55[0] : i32 from vector<1xi32>
    %and3A_57 = arith.constant 127 : i32
    %and3A_58 = arith.andi %squeeze3A_56, %and3A_57 : i32
    %sub3A_59 = arith.subi %squeeze3A_56, %and3A_58 : i32
    %multiple_of3A_60 = tpu.assume_multiple %sub3A_59, 128 : i32
    %dma_start3A_61 = arith.constant 3 : i32
    %dma_start3A_62 = arith.constant 0 : i32
    %dma_start3A_63 = arith.constant 0 : i32
    %dma_start3A_64 = tpu.memref_slice %arg6[%dma_start3A_61, %dma_start3A_62, %dma_start3A_63] : memref<8x32x128xf32, #tpu.memory_space<vmem>> -> memref<1x32x128xf32, #tpu.memory_space<vmem>>
    %dma_start3A_65 = tpu.memref_squeeze %dma_start3A_64 : memref<1x32x128xf32, #tpu.memory_space<vmem>> -> memref<32x128xf32, #tpu.memory_space<vmem>>
    %dma_start3A_66 = arith.constant 0 : i32
    %dma_start3A_67 = tpu.memref_slice %arg3[%dma_start3A_66, %multiple_of3A_60] : memref<32x1000000xf32, #tpu.memory_space<hbm>> -> memref<32x128xf32, #tpu.memory_space<hbm>>
    %dma_start3A_68 = arith.constant 0 : i32
    %dma_start3A_69 = arith.constant 0 : i32
    %dma_start3A_70 = tpu.memref_slice %arg6[%dma_start3A_61, %dma_start3A_68, %dma_start3A_69] : memref<8x32x128xf32, #tpu.memory_space<vmem>> -> memref<1x32x128xf32, #tpu.memory_space<vmem>>
    %dma_start3A_71 = tpu.memref_squeeze %dma_start3A_70 : memref<1x32x128xf32, #tpu.memory_space<vmem>> -> memref<32x128xf32, #tpu.memory_space<vmem>>
    %dma_start3A_72 = arith.constant 0 : i32
    %dma_start3A_73 = tpu.memref_slice %arg3[%dma_start3A_72, %multiple_of3A_60] : memref<32x1000000xf32, #tpu.memory_space<hbm>> -> memref<32x128xf32, #tpu.memory_space<hbm>>
    tpu.enqueue_dma source(%dma_start3A_73 : memref<32x128xf32, #tpu.memory_space<hbm>>) target(%dma_start3A_71 : memref<32x128xf32, #tpu.memory_space<vmem>>) target_semaphore(%arg11 : memref<!tpu.dma_semaphore, #tpu.memory_space<semaphore_mem>>)
    %slice3A_74 = vector.extract_strided_slice %get3A_3 {offsets = [4], sizes = [1], strides = [1]} : vector<16xi32> to vector<1xi32>
    %squeeze3A_75 = vector.extract %slice3A_74[0] : i32 from vector<1xi32>
    %and3A_76 = arith.constant 127 : i32
    %and3A_77 = arith.andi %squeeze3A_75, %and3A_76 : i32
    %sub3A_78 = arith.subi %squeeze3A_75, %and3A_77 : i32
    %multiple_of3A_79 = tpu.assume_multiple %sub3A_78, 128 : i32
    %dma_start3A_80 = arith.constant 4 : i32
    %dma_start3A_81 = arith.constant 0 : i32
    %dma_start3A_82 = arith.constant 0 : i32
    %dma_start3A_83 = tpu.memref_slice %arg6[%dma_start3A_80, %dma_start3A_81, %dma_start3A_82] : memref<8x32x128xf32, #tpu.memory_space<vmem>> -> memref<1x32x128xf32, #tpu.memory_space<vmem>>
    %dma_start3A_84 = tpu.memref_squeeze %dma_start3A_83 : memref<1x32x128xf32, #tpu.memory_space<vmem>> -> memref<32x128xf32, #tpu.memory_space<vmem>>
    %dma_start3A_85 = arith.constant 0 : i32
    %dma_start3A_86 = tpu.memref_slice %arg3[%dma_start3A_85, %multiple_of3A_79] : memref<32x1000000xf32, #tpu.memory_space<hbm>> -> memref<32x128xf32, #tpu.memory_space<hbm>>
    %dma_start3A_87 = arith.constant 0 : i32
    %dma_start3A_88 = arith.constant 0 : i32
    %dma_start3A_89 = tpu.memref_slice %arg6[%dma_start3A_80, %dma_start3A_87, %dma_start3A_88] : memref<8x32x128xf32, #tpu.memory_space<vmem>> -> memref<1x32x128xf32, #tpu.memory_space<vmem>>
    %dma_start3A_90 = tpu.memref_squeeze %dma_start3A_89 : memref<1x32x128xf32, #tpu.memory_space<vmem>> -> memref<32x128xf32, #tpu.memory_space<vmem>>
    %dma_start3A_91 = arith.constant 0 : i32
    %dma_start3A_92 = tpu.memref_slice %arg3[%dma_start3A_91, %multiple_of3A_79] : memref<32x1000000xf32, #tpu.memory_space<hbm>> -> memref<32x128xf32, #tpu.memory_space<hbm>>
    tpu.enqueue_dma source(%dma_start3A_92 : memref<32x128xf32, #tpu.memory_space<hbm>>) target(%dma_start3A_90 : memref<32x128xf32, #tpu.memory_space<vmem>>) target_semaphore(%arg12 : memref<!tpu.dma_semaphore, #tpu.memory_space<semaphore_mem>>)
    %slice3A_93 = vector.extract_strided_slice %get3A_3 {offsets = [5], sizes = [1], strides = [1]} : vector<16xi32> to vector<1xi32>
    %squeeze3A_94 = vector.extract %slice3A_93[0] : i32 from vector<1xi32>
    %and3A_95 = arith.constant 127 : i32
    %and3A_96 = arith.andi %squeeze3A_94, %and3A_95 : i32
    %sub3A_97 = arith.subi %squeeze3A_94, %and3A_96 : i32
    %multiple_of3A_98 = tpu.assume_multiple %sub3A_97, 128 : i32
    %dma_start3A_99 = arith.constant 5 : i32
    %dma_start3A_100 = arith.constant 0 : i32
    %dma_start3A_101 = arith.constant 0 : i32
    %dma_start3A_102 = tpu.memref_slice %arg6[%dma_start3A_99, %dma_start3A_100, %dma_start3A_101] : memref<8x32x128xf32, #tpu.memory_space<vmem>> -> memref<1x32x128xf32, #tpu.memory_space<vmem>>
    %dma_start3A_103 = tpu.memref_squeeze %dma_start3A_102 : memref<1x32x128xf32, #tpu.memory_space<vmem>> -> memref<32x128xf32, #tpu.memory_space<vmem>>
    %dma_start3A_104 = arith.constant 0 : i32
    %dma_start3A_105 = tpu.memref_slice %arg3[%dma_start3A_104, %multiple_of3A_98] : memref<32x1000000xf32, #tpu.memory_space<hbm>> -> memref<32x128xf32, #tpu.memory_space<hbm>>
    %dma_start3A_106 = arith.constant 0 : i32
    %dma_start3A_107 = arith.constant 0 : i32
    %dma_start3A_108 = tpu.memref_slice %arg6[%dma_start3A_99, %dma_start3A_106, %dma_start3A_107] : memref<8x32x128xf32, #tpu.memory_space<vmem>> -> memref<1x32x128xf32, #tpu.memory_space<vmem>>
    %dma_start3A_109 = tpu.memref_squeeze %dma_start3A_108 : memref<1x32x128xf32, #tpu.memory_space<vmem>> -> memref<32x128xf32, #tpu.memory_space<vmem>>
    %dma_start3A_110 = arith.constant 0 : i32
    %dma_start3A_111 = tpu.memref_slice %arg3[%dma_start3A_110, %multiple_of3A_98] : memref<32x1000000xf32, #tpu.memory_space<hbm>> -> memref<32x128xf32, #tpu.memory_space<hbm>>
    tpu.enqueue_dma source(%dma_start3A_111 : memref<32x128xf32, #tpu.memory_space<hbm>>) target(%dma_start3A_109 : memref<32x128xf32, #tpu.memory_space<vmem>>) target_semaphore(%arg13 : memref<!tpu.dma_semaphore, #tpu.memory_space<semaphore_mem>>)
    %slice3A_112 = vector.extract_strided_slice %get3A_3 {offsets = [6], sizes = [1], strides = [1]} : vector<16xi32> to vector<1xi32>
    %squeeze3A_113 = vector.extract %slice3A_112[0] : i32 from vector<1xi32>
    %and3A_114 = arith.constant 127 : i32
    %and3A_115 = arith.andi %squeeze3A_113, %and3A_114 : i32
    %sub3A_116 = arith.subi %squeeze3A_113, %and3A_115 : i32
    %multiple_of3A_117 = tpu.assume_multiple %sub3A_116, 128 : i32
    %dma_start3A_118 = arith.constant 6 : i32
    %dma_start3A_119 = arith.constant 0 : i32
    %dma_start3A_120 = arith.constant 0 : i32
    %dma_start3A_121 = tpu.memref_slice %arg6[%dma_start3A_118, %dma_start3A_119, %dma_start3A_120] : memref<8x32x128xf32, #tpu.memory_space<vmem>> -> memref<1x32x128xf32, #tpu.memory_space<vmem>>
    %dma_start3A_122 = tpu.memref_squeeze %dma_start3A_121 : memref<1x32x128xf32, #tpu.memory_space<vmem>> -> memref<32x128xf32, #tpu.memory_space<vmem>>
    %dma_start3A_123 = arith.constant 0 : i32
    %dma_start3A_124 = tpu.memref_slice %arg3[%dma_start3A_123, %multiple_of3A_117] : memref<32x1000000xf32, #tpu.memory_space<hbm>> -> memref<32x128xf32, #tpu.memory_space<hbm>>
    %dma_start3A_125 = arith.constant 0 : i32
    %dma_start3A_126 = arith.constant 0 : i32
    %dma_start3A_127 = tpu.memref_slice %arg6[%dma_start3A_118, %dma_start3A_125, %dma_start3A_126] : memref<8x32x128xf32, #tpu.memory_space<vmem>> -> memref<1x32x128xf32, #tpu.memory_space<vmem>>
    %dma_start3A_128 = tpu.memref_squeeze %dma_start3A_127 : memref<1x32x128xf32, #tpu.memory_space<vmem>> -> memref<32x128xf32, #tpu.memory_space<vmem>>
    %dma_start3A_129 = arith.constant 0 : i32
    %dma_start3A_130 = tpu.memref_slice %arg3[%dma_start3A_129, %multiple_of3A_117] : memref<32x1000000xf32, #tpu.memory_space<hbm>> -> memref<32x128xf32, #tpu.memory_space<hbm>>
    tpu.enqueue_dma source(%dma_start3A_130 : memref<32x128xf32, #tpu.memory_space<hbm>>) target(%dma_start3A_128 : memref<32x128xf32, #tpu.memory_space<vmem>>) target_semaphore(%arg14 : memref<!tpu.dma_semaphore, #tpu.memory_space<semaphore_mem>>)
    %slice3A_131 = vector.extract_strided_slice %get3A_3 {offsets = [7], sizes = [1], strides = [1]} : vector<16xi32> to vector<1xi32>
    %squeeze3A_132 = vector.extract %slice3A_131[0] : i32 from vector<1xi32>
    %and3A_133 = arith.constant 127 : i32
    %and3A_134 = arith.andi %squeeze3A_132, %and3A_133 : i32
    %sub3A_135 = arith.subi %squeeze3A_132, %and3A_134 : i32
    %multiple_of3A_136 = tpu.assume_multiple %sub3A_135, 128 : i32
    %dma_start3A_137 = arith.constant 7 : i32
    %dma_start3A_138 = arith.constant 0 : i32
    %dma_start3A_139 = arith.constant 0 : i32
    %dma_start3A_140 = tpu.memref_slice %arg6[%dma_start3A_137, %dma_start3A_138, %dma_start3A_139] : memref<8x32x128xf32, #tpu.memory_space<vmem>> -> memref<1x32x128xf32, #tpu.memory_space<vmem>>
    %dma_start3A_141 = tpu.memref_squeeze %dma_start3A_140 : memref<1x32x128xf32, #tpu.memory_space<vmem>> -> memref<32x128xf32, #tpu.memory_space<vmem>>
    %dma_start3A_142 = arith.constant 0 : i32
    %dma_start3A_143 = tpu.memref_slice %arg3[%dma_start3A_142, %multiple_of3A_136] : memref<32x1000000xf32, #tpu.memory_space<hbm>> -> memref<32x128xf32, #tpu.memory_space<hbm>>
    %dma_start3A_144 = arith.constant 0 : i32
    %dma_start3A_145 = arith.constant 0 : i32
    %dma_start3A_146 = tpu.memref_slice %arg6[%dma_start3A_137, %dma_start3A_144, %dma_start3A_145] : memref<8x32x128xf32, #tpu.memory_space<vmem>> -> memref<1x32x128xf32, #tpu.memory_space<vmem>>
    %dma_start3A_147 = tpu.memref_squeeze %dma_start3A_146 : memref<1x32x128xf32, #tpu.memory_space<vmem>> -> memref<32x128xf32, #tpu.memory_space<vmem>>
    %dma_start3A_148 = arith.constant 0 : i32
    %dma_start3A_149 = tpu.memref_slice %arg3[%dma_start3A_148, %multiple_of3A_136] : memref<32x1000000xf32, #tpu.memory_space<hbm>> -> memref<32x128xf32, #tpu.memory_space<hbm>>
    tpu.enqueue_dma source(%dma_start3A_149 : memref<32x128xf32, #tpu.memory_space<hbm>>) target(%dma_start3A_147 : memref<32x128xf32, #tpu.memory_space<vmem>>) target_semaphore(%arg15 : memref<!tpu.dma_semaphore, #tpu.memory_space<semaphore_mem>>)
    %scan3A = arith.constant 1 : i32
    %scan3A_150 = arith.constant 64 : i32
    %scan3A_151 = arith.addi %scan3A, %scan3A_150 : i32
    %scan3A_152 = arith.constant 1 : i32
    scf.for %scan3A_154 = %scan3A to %scan3A_151 step %scan3A_152  : i32 {
      %sub3A_155 = arith.constant 1 : i32
      %sub3A_156 = arith.subi %scan3A_154, %sub3A_155 : i32
      %mul3A_157 = arith.constant 8 : i32
      %mul3A_158 = arith.muli %sub3A_156, %mul3A_157 : i32
      %get3A_159 = arith.index_cast %mul3A_158 : i32 to index
      %get3A_160 = tpu.vector_load %arg5[%get3A_159] {strides = array<i32>} : memref<528xi32, #tpu.memory_space<vmem>>, vector<16xi32>,
      %mul3A_161 = arith.constant 8 : i32
      %mul3A_162 = arith.muli %scan3A_154, %mul3A_161 : i32
      %get3A_163 = arith.index_cast %mul3A_162 : i32 to index
      %get3A_164 = tpu.vector_load %arg5[%get3A_163] {strides = array<i32>} : memref<528xi32, #tpu.memory_space<vmem>>, vector<16xi32>,
      %dma_wait3A = arith.constant 0 : i32
      %dma_wait3A_165 = arith.constant 0 : i32
      %dma_wait3A_166 = arith.constant 0 : i32
      %dma_wait3A_167 = tpu.memref_slice %arg6[%dma_wait3A, %dma_wait3A_165, %dma_wait3A_166] : memref<8x32x128xf32, #tpu.memory_space<vmem>> -> memref<1x32x128xf32, #tpu.memory_space<vmem>>
      %dma_wait3A_168 = tpu.memref_squeeze %dma_wait3A_167 : memref<1x32x128xf32, #tpu.memory_space<vmem>> -> memref<32x128xf32, #tpu.memory_space<vmem>>
      %dma_wait3A_169 = arith.constant 0 : i32
      %dma_wait3A_170 = arith.constant 0 : i32
      %dma_wait3A_171 = tpu.memref_slice %arg3[%dma_wait3A_169, %dma_wait3A_170] : memref<32x1000000xf32, #tpu.memory_space<hbm>> -> memref<32x128xf32, #tpu.memory_space<hbm>>
      %dma_wait3A_172 = arith.constant 0 : i32
      %dma_wait3A_173 = arith.constant 0 : i32
      %dma_wait3A_174 = tpu.memref_slice %arg6[%dma_wait3A, %dma_wait3A_172, %dma_wait3A_173] : memref<8x32x128xf32, #tpu.memory_space<vmem>> -> memref<1x32x128xf32, #tpu.memory_space<vmem>>
      %dma_wait3A_175 = tpu.memref_squeeze %dma_wait3A_174 : memref<1x32x128xf32, #tpu.memory_space<vmem>> -> memref<32x128xf32, #tpu.memory_space<vmem>>
      %dma_wait3A_176 = arith.constant 0 : i32
      %dma_wait3A_177 = arith.constant 0 : i32
      %dma_wait3A_178 = tpu.memref_slice %arg3[%dma_wait3A_176, %dma_wait3A_177] : memref<32x1000000xf32, #tpu.memory_space<hbm>> -> memref<32x128xf32, #tpu.memory_space<hbm>>
      tpu.wait_dma2 semaphore(%arg8 : memref<!tpu.dma_semaphore, #tpu.memory_space<semaphore_mem>>) src(%dma_wait3A_178 : memref<32x128xf32, #tpu.memory_space<hbm>>) dst(%dma_wait3A_175 : memref<32x128xf32, #tpu.memory_space<vmem>>)
      %slice3A_179 = vector.extract_strided_slice %get3A_160 {offsets = [0], sizes = [1], strides = [1]} : vector<16xi32> to vector<1xi32>
      %squeeze3A_180 = vector.extract %slice3A_179[0] : i32 from vector<1xi32>
      %sub3A_181 = arith.constant 1 : i32
      %sub3A_182 = arith.subi %scan3A_154, %sub3A_181 : i32
      %mul3A_183 = arith.constant 8 : i32
      %mul3A_184 = arith.muli %sub3A_182, %mul3A_183 : i32
      %add3A_185 = arith.constant 0 : i32
      %add3A_186 = arith.addi %mul3A_184, %add3A_185 : i32
      %and3A_187 = arith.constant 127 : i32
      %and3A_188 = arith.andi %squeeze3A_180, %and3A_187 : i32
      %broadcast_in_dim3A = vector.broadcast %and3A_188 : i32 to vector<16xi32>
      %broadcast_in_dim3A_189 = vector.broadcast %add3A_186 : i32 to vector<16xi32>
      %add3A_190 = arith.constant 0 : i32
      %add3A_191 = vector.broadcast %add3A_190 : i32 to vector<16xi32>
      %add3A_192 = arith.addi %iota3A, %add3A_191 : vector<16xi32>
      %gather3A = arith.constant 0 : i32
      %gather3A_193 = arith.constant 0 : i32
      %gather3A_194 = arith.constant 0 : i32
      %gather3A_195 = tpu.memref_slice %arg6[%gather3A, %gather3A_193, %gather3A_194] : memref<8x32x128xf32, #tpu.memory_space<vmem>> -> memref<1x32x128xf32, #tpu.memory_space<vmem>>
      %gather3A_196 = tpu.memref_squeeze %gather3A_195 : memref<1x32x128xf32, #tpu.memory_space<vmem>> -> memref<32x128xf32, #tpu.memory_space<vmem>>
      %gather3A_197 = tpu.vector_load_idx %gather3A_196[%add3A_192, %broadcast_in_dim3A] : memref<32x128xf32, #tpu.memory_space<vmem>>[vector<16xi32>, vector<16xi32>], vector<16xf32>,
      %add3A_198 = arith.constant 0 : i32
      %add3A_199 = vector.broadcast %add3A_198 : i32 to vector<16xi32>
      %add3A_200 = arith.addi %iota3A, %add3A_199 : vector<16xi32>
      tpu.vector_store_idx %arg7[%add3A_200, %broadcast_in_dim3A_189], %gather3A_197 : memref<32x512xf32, #tpu.memory_space<vmem>>[vector<16xi32>, vector<16xi32>], vector<16xf32>,
      %add3A_201 = arith.constant 16 : i32
      %add3A_202 = vector.broadcast %add3A_201 : i32 to vector<16xi32>
      %add3A_203 = arith.addi %iota3A, %add3A_202 : vector<16xi32>
      %gather3A_204 = arith.constant 0 : i32
      %gather3A_205 = arith.constant 0 : i32
      %gather3A_206 = arith.constant 0 : i32
      %gather3A_207 = tpu.memref_slice %arg6[%gather3A_204, %gather3A_205, %gather3A_206] : memref<8x32x128xf32, #tpu.memory_space<vmem>> -> memref<1x32x128xf32, #tpu.memory_space<vmem>>
      %gather3A_208 = tpu.memref_squeeze %gather3A_207 : memref<1x32x128xf32, #tpu.memory_space<vmem>> -> memref<32x128xf32, #tpu.memory_space<vmem>>
      %gather3A_209 = tpu.vector_load_idx %gather3A_208[%add3A_203, %broadcast_in_dim3A] : memref<32x128xf32, #tpu.memory_space<vmem>>[vector<16xi32>, vector<16xi32>], vector<16xf32>,
      %add3A_210 = arith.constant 16 : i32
      %add3A_211 = vector.broadcast %add3A_210 : i32 to vector<16xi32>
      %add3A_212 = arith.addi %iota3A, %add3A_211 : vector<16xi32>
      tpu.vector_store_idx %arg7[%add3A_212, %broadcast_in_dim3A_189], %gather3A_209 : memref<32x512xf32, #tpu.memory_space<vmem>>[vector<16xi32>, vector<16xi32>], vector<16xf32>,
      %lt3A = arith.constant 64 : i32
      %lt3A_213 = arith.cmpi slt, %scan3A_154, %lt3A : i32
      %convert_element_type3A = arith.extui %lt3A_213 : i1 to i32
      %cond3A = arith.constant 0 : i32
      %cond3A_214 = arith.cmpi ne, %convert_element_type3A, %cond3A : i32
      scf.if %cond3A_214 {
        %slice3A_607 = vector.extract_strided_slice %get3A_164 {offsets = [0], sizes = [1], strides = [1]} : vector<16xi32> to vector<1xi32>
        %squeeze3A_608 = vector.extract %slice3A_607[0] : i32 from vector<1xi32>
        %and3A_609 = arith.constant 127 : i32
        %and3A_610 = arith.andi %squeeze3A_608, %and3A_609 : i32
        %sub3A_611 = arith.subi %squeeze3A_608, %and3A_610 : i32
        %multiple_of3A_612 = tpu.assume_multiple %sub3A_611, 128 : i32
        %dma_start3A_613 = arith.constant 0 : i32
        %dma_start3A_614 = arith.constant 0 : i32
        %dma_start3A_615 = arith.constant 0 : i32
        %dma_start3A_616 = tpu.memref_slice %arg6[%dma_start3A_613, %dma_start3A_614, %dma_start3A_615] : memref<8x32x128xf32, #tpu.memory_space<vmem>> -> memref<1x32x128xf32, #tpu.memory_space<vmem>>
        %dma_start3A_617 = tpu.memref_squeeze %dma_start3A_616 : memref<1x32x128xf32, #tpu.memory_space<vmem>> -> memref<32x128xf32, #tpu.memory_space<vmem>>
        %dma_start3A_618 = arith.constant 0 : i32
        %dma_start3A_619 = tpu.memref_slice %arg3[%dma_start3A_618, %multiple_of3A_612] : memref<32x1000000xf32, #tpu.memory_space<hbm>> -> memref<32x128xf32, #tpu.memory_space<hbm>>
        %dma_start3A_620 = arith.constant 0 : i32
        %dma_start3A_621 = arith.constant 0 : i32
        %dma_start3A_622 = tpu.memref_slice %arg6[%dma_start3A_613, %dma_start3A_620, %dma_start3A_621] : memref<8x32x128xf32, #tpu.memory_space<vmem>> -> memref<1x32x128xf32, #tpu.memory_space<vmem>>
        %dma_start3A_623 = tpu.memref_squeeze %dma_start3A_622 : memref<1x32x128xf32, #tpu.memory_space<vmem>> -> memref<32x128xf32, #tpu.memory_space<vmem>>
        %dma_start3A_624 = arith.constant 0 : i32
        %dma_start3A_625 = tpu.memref_slice %arg3[%dma_start3A_624, %multiple_of3A_612] : memref<32x1000000xf32, #tpu.memory_space<hbm>> -> memref<32x128xf32, #tpu.memory_space<hbm>>
        tpu.enqueue_dma source(%dma_start3A_625 : memref<32x128xf32, #tpu.memory_space<hbm>>) target(%dma_start3A_623 : memref<32x128xf32, #tpu.memory_space<vmem>>) target_semaphore(%arg8 : memref<!tpu.dma_semaphore, #tpu.memory_space<semaphore_mem>>)
      } else {
      }
      %dma_wait3A_215 = arith.constant 1 : i32
      %dma_wait3A_216 = arith.constant 0 : i32
      %dma_wait3A_217 = arith.constant 0 : i32
      %dma_wait3A_218 = tpu.memref_slice %arg6[%dma_wait3A_215, %dma_wait3A_216, %dma_wait3A_217] : memref<8x32x128xf32, #tpu.memory_space<vmem>> -> memref<1x32x128xf32, #tpu.memory_space<vmem>>
      %dma_wait3A_219 = tpu.memref_squeeze %dma_wait3A_218 : memref<1x32x128xf32, #tpu.memory_space<vmem>> -> memref<32x128xf32, #tpu.memory_space<vmem>>
      %dma_wait3A_220 = arith.constant 0 : i32
      %dma_wait3A_221 = arith.constant 0 : i32
      %dma_wait3A_222 = tpu.memref_slice %arg3[%dma_wait3A_220, %dma_wait3A_221] : memref<32x1000000xf32, #tpu.memory_space<hbm>> -> memref<32x128xf32, #tpu.memory_space<hbm>>
      %dma_wait3A_223 = arith.constant 0 : i32
      %dma_wait3A_224 = arith.constant 0 : i32
      %dma_wait3A_225 = tpu.memref_slice %arg6[%dma_wait3A_215, %dma_wait3A_223, %dma_wait3A_224] : memref<8x32x128xf32, #tpu.memory_space<vmem>> -> memref<1x32x128xf32, #tpu.memory_space<vmem>>
      %dma_wait3A_226 = tpu.memref_squeeze %dma_wait3A_225 : memref<1x32x128xf32, #tpu.memory_space<vmem>> -> memref<32x128xf32, #tpu.memory_space<vmem>>
      %dma_wait3A_227 = arith.constant 0 : i32
      %dma_wait3A_228 = arith.constant 0 : i32
      %dma_wait3A_229 = tpu.memref_slice %arg3[%dma_wait3A_227, %dma_wait3A_228] : memref<32x1000000xf32, #tpu.memory_space<hbm>> -> memref<32x128xf32, #tpu.memory_space<hbm>>
      tpu.wait_dma2 semaphore(%arg9 : memref<!tpu.dma_semaphore, #tpu.memory_space<semaphore_mem>>) src(%dma_wait3A_229 : memref<32x128xf32, #tpu.memory_space<hbm>>) dst(%dma_wait3A_226 : memref<32x128xf32, #tpu.memory_space<vmem>>)
      %slice3A_230 = vector.extract_strided_slice %get3A_160 {offsets = [1], sizes = [1], strides = [1]} : vector<16xi32> to vector<1xi32>
      %squeeze3A_231 = vector.extract %slice3A_230[0] : i32 from vector<1xi32>
      %sub3A_232 = arith.constant 1 : i32
      %sub3A_233 = arith.subi %scan3A_154, %sub3A_232 : i32
      %mul3A_234 = arith.constant 8 : i32
      %mul3A_235 = arith.muli %sub3A_233, %mul3A_234 : i32
      %add3A_236 = arith.constant 1 : i32
      %add3A_237 = arith.addi %mul3A_235, %add3A_236 : i32
      %and3A_238 = arith.constant 127 : i32
      %and3A_239 = arith.andi %squeeze3A_231, %and3A_238 : i32
      %broadcast_in_dim3A_240 = vector.broadcast %and3A_239 : i32 to vector<16xi32>
      %broadcast_in_dim3A_241 = vector.broadcast %add3A_237 : i32 to vector<16xi32>
      %add3A_242 = arith.constant 0 : i32
      %add3A_243 = vector.broadcast %add3A_242 : i32 to vector<16xi32>
      %add3A_244 = arith.addi %iota3A, %add3A_243 : vector<16xi32>
      %gather3A_245 = arith.constant 1 : i32
      %gather3A_246 = arith.constant 0 : i32
      %gather3A_247 = arith.constant 0 : i32
      %gather3A_248 = tpu.memref_slice %arg6[%gather3A_245, %gather3A_246, %gather3A_247] : memref<8x32x128xf32, #tpu.memory_space<vmem>> -> memref<1x32x128xf32, #tpu.memory_space<vmem>>
      %gather3A_249 = tpu.memref_squeeze %gather3A_248 : memref<1x32x128xf32, #tpu.memory_space<vmem>> -> memref<32x128xf32, #tpu.memory_space<vmem>>
      %gather3A_250 = tpu.vector_load_idx %gather3A_249[%add3A_244, %broadcast_in_dim3A_240] : memref<32x128xf32, #tpu.memory_space<vmem>>[vector<16xi32>, vector<16xi32>], vector<16xf32>,
      %add3A_251 = arith.constant 0 : i32
      %add3A_252 = vector.broadcast %add3A_251 : i32 to vector<16xi32>
      %add3A_253 = arith.addi %iota3A, %add3A_252 : vector<16xi32>
      tpu.vector_store_idx %arg7[%add3A_253, %broadcast_in_dim3A_241], %gather3A_250 : memref<32x512xf32, #tpu.memory_space<vmem>>[vector<16xi32>, vector<16xi32>], vector<16xf32>,
      %add3A_254 = arith.constant 16 : i32
      %add3A_255 = vector.broadcast %add3A_254 : i32 to vector<16xi32>
      %add3A_256 = arith.addi %iota3A, %add3A_255 : vector<16xi32>
      %gather3A_257 = arith.constant 1 : i32
      %gather3A_258 = arith.constant 0 : i32
      %gather3A_259 = arith.constant 0 : i32
      %gather3A_260 = tpu.memref_slice %arg6[%gather3A_257, %gather3A_258, %gather3A_259] : memref<8x32x128xf32, #tpu.memory_space<vmem>> -> memref<1x32x128xf32, #tpu.memory_space<vmem>>
      %gather3A_261 = tpu.memref_squeeze %gather3A_260 : memref<1x32x128xf32, #tpu.memory_space<vmem>> -> memref<32x128xf32, #tpu.memory_space<vmem>>
      %gather3A_262 = tpu.vector_load_idx %gather3A_261[%add3A_256, %broadcast_in_dim3A_240] : memref<32x128xf32, #tpu.memory_space<vmem>>[vector<16xi32>, vector<16xi32>], vector<16xf32>,
      %add3A_263 = arith.constant 16 : i32
      %add3A_264 = vector.broadcast %add3A_263 : i32 to vector<16xi32>
      %add3A_265 = arith.addi %iota3A, %add3A_264 : vector<16xi32>
      tpu.vector_store_idx %arg7[%add3A_265, %broadcast_in_dim3A_241], %gather3A_262 : memref<32x512xf32, #tpu.memory_space<vmem>>[vector<16xi32>, vector<16xi32>], vector<16xf32>,
      %lt3A_266 = arith.constant 64 : i32
      %lt3A_267 = arith.cmpi slt, %scan3A_154, %lt3A_266 : i32
      %convert_element_type3A_268 = arith.extui %lt3A_267 : i1 to i32
      %cond3A_269 = arith.constant 0 : i32
      %cond3A_270 = arith.cmpi ne, %convert_element_type3A_268, %cond3A_269 : i32
      scf.if %cond3A_270 {
        %slice3A_607 = vector.extract_strided_slice %get3A_164 {offsets = [1], sizes = [1], strides = [1]} : vector<16xi32> to vector<1xi32>
        %squeeze3A_608 = vector.extract %slice3A_607[0] : i32 from vector<1xi32>
        %and3A_609 = arith.constant 127 : i32
        %and3A_610 = arith.andi %squeeze3A_608, %and3A_609 : i32
        %sub3A_611 = arith.subi %squeeze3A_608, %and3A_610 : i32
        %multiple_of3A_612 = tpu.assume_multiple %sub3A_611, 128 : i32
        %dma_start3A_613 = arith.constant 1 : i32
        %dma_start3A_614 = arith.constant 0 : i32
        %dma_start3A_615 = arith.constant 0 : i32
        %dma_start3A_616 = tpu.memref_slice %arg6[%dma_start3A_613, %dma_start3A_614, %dma_start3A_615] : memref<8x32x128xf32, #tpu.memory_space<vmem>> -> memref<1x32x128xf32, #tpu.memory_space<vmem>>
        %dma_start3A_617 = tpu.memref_squeeze %dma_start3A_616 : memref<1x32x128xf32, #tpu.memory_space<vmem>> -> memref<32x128xf32, #tpu.memory_space<vmem>>
        %dma_start3A_618 = arith.constant 0 : i32
        %dma_start3A_619 = tpu.memref_slice %arg3[%dma_start3A_618, %multiple_of3A_612] : memref<32x1000000xf32, #tpu.memory_space<hbm>> -> memref<32x128xf32, #tpu.memory_space<hbm>>
        %dma_start3A_620 = arith.constant 0 : i32
        %dma_start3A_621 = arith.constant 0 : i32
        %dma_start3A_622 = tpu.memref_slice %arg6[%dma_start3A_613, %dma_start3A_620, %dma_start3A_621] : memref<8x32x128xf32, #tpu.memory_space<vmem>> -> memref<1x32x128xf32, #tpu.memory_space<vmem>>
        %dma_start3A_623 = tpu.memref_squeeze %dma_start3A_622 : memref<1x32x128xf32, #tpu.memory_space<vmem>> -> memref<32x128xf32, #tpu.memory_space<vmem>>
        %dma_start3A_624 = arith.constant 0 : i32
        %dma_start3A_625 = tpu.memref_slice %arg3[%dma_start3A_624, %multiple_of3A_612] : memref<32x1000000xf32, #tpu.memory_space<hbm>> -> memref<32x128xf32, #tpu.memory_space<hbm>>
        tpu.enqueue_dma source(%dma_start3A_625 : memref<32x128xf32, #tpu.memory_space<hbm>>) target(%dma_start3A_623 : memref<32x128xf32, #tpu.memory_space<vmem>>) target_semaphore(%arg9 : memref<!tpu.dma_semaphore, #tpu.memory_space<semaphore_mem>>)
      } else {
      }
      %dma_wait3A_271 = arith.constant 2 : i32
      %dma_wait3A_272 = arith.constant 0 : i32
      %dma_wait3A_273 = arith.constant 0 : i32
      %dma_wait3A_274 = tpu.memref_slice %arg6[%dma_wait3A_271, %dma_wait3A_272, %dma_wait3A_273] : memref<8x32x128xf32, #tpu.memory_space<vmem>> -> memref<1x32x128xf32, #tpu.memory_space<vmem>>
      %dma_wait3A_275 = tpu.memref_squeeze %dma_wait3A_274 : memref<1x32x128xf32, #tpu.memory_space<vmem>> -> memref<32x128xf32, #tpu.memory_space<vmem>>
      %dma_wait3A_276 = arith.constant 0 : i32
      %dma_wait3A_277 = arith.constant 0 : i32
      %dma_wait3A_278 = tpu.memref_slice %arg3[%dma_wait3A_276, %dma_wait3A_277] : memref<32x1000000xf32, #tpu.memory_space<hbm>> -> memref<32x128xf32, #tpu.memory_space<hbm>>
      %dma_wait3A_279 = arith.constant 0 : i32
      %dma_wait3A_280 = arith.constant 0 : i32
      %dma_wait3A_281 = tpu.memref_slice %arg6[%dma_wait3A_271, %dma_wait3A_279, %dma_wait3A_280] : memref<8x32x128xf32, #tpu.memory_space<vmem>> -> memref<1x32x128xf32, #tpu.memory_space<vmem>>
      %dma_wait3A_282 = tpu.memref_squeeze %dma_wait3A_281 : memref<1x32x128xf32, #tpu.memory_space<vmem>> -> memref<32x128xf32, #tpu.memory_space<vmem>>
      %dma_wait3A_283 = arith.constant 0 : i32
      %dma_wait3A_284 = arith.constant 0 : i32
      %dma_wait3A_285 = tpu.memref_slice %arg3[%dma_wait3A_283, %dma_wait3A_284] : memref<32x1000000xf32, #tpu.memory_space<hbm>> -> memref<32x128xf32, #tpu.memory_space<hbm>>
      tpu.wait_dma2 semaphore(%arg10 : memref<!tpu.dma_semaphore, #tpu.memory_space<semaphore_mem>>) src(%dma_wait3A_285 : memref<32x128xf32, #tpu.memory_space<hbm>>) dst(%dma_wait3A_282 : memref<32x128xf32, #tpu.memory_space<vmem>>)
      %slice3A_286 = vector.extract_strided_slice %get3A_160 {offsets = [2], sizes = [1], strides = [1]} : vector<16xi32> to vector<1xi32>
      %squeeze3A_287 = vector.extract %slice3A_286[0] : i32 from vector<1xi32>
      %sub3A_288 = arith.constant 1 : i32
      %sub3A_289 = arith.subi %scan3A_154, %sub3A_288 : i32
      %mul3A_290 = arith.constant 8 : i32
      %mul3A_291 = arith.muli %sub3A_289, %mul3A_290 : i32
      %add3A_292 = arith.constant 2 : i32
      %add3A_293 = arith.addi %mul3A_291, %add3A_292 : i32
      %and3A_294 = arith.constant 127 : i32
      %and3A_295 = arith.andi %squeeze3A_287, %and3A_294 : i32
      %broadcast_in_dim3A_296 = vector.broadcast %and3A_295 : i32 to vector<16xi32>
      %broadcast_in_dim3A_297 = vector.broadcast %add3A_293 : i32 to vector<16xi32>
      %add3A_298 = arith.constant 0 : i32
      %add3A_299 = vector.broadcast %add3A_298 : i32 to vector<16xi32>
      %add3A_300 = arith.addi %iota3A, %add3A_299 : vector<16xi32>
      %gather3A_301 = arith.constant 2 : i32
      %gather3A_302 = arith.constant 0 : i32
      %gather3A_303 = arith.constant 0 : i32
      %gather3A_304 = tpu.memref_slice %arg6[%gather3A_301, %gather3A_302, %gather3A_303] : memref<8x32x128xf32, #tpu.memory_space<vmem>> -> memref<1x32x128xf32, #tpu.memory_space<vmem>>
      %gather3A_305 = tpu.memref_squeeze %gather3A_304 : memref<1x32x128xf32, #tpu.memory_space<vmem>> -> memref<32x128xf32, #tpu.memory_space<vmem>>
      %gather3A_306 = tpu.vector_load_idx %gather3A_305[%add3A_300, %broadcast_in_dim3A_296] : memref<32x128xf32, #tpu.memory_space<vmem>>[vector<16xi32>, vector<16xi32>], vector<16xf32>,
      %add3A_307 = arith.constant 0 : i32
      %add3A_308 = vector.broadcast %add3A_307 : i32 to vector<16xi32>
      %add3A_309 = arith.addi %iota3A, %add3A_308 : vector<16xi32>
      tpu.vector_store_idx %arg7[%add3A_309, %broadcast_in_dim3A_297], %gather3A_306 : memref<32x512xf32, #tpu.memory_space<vmem>>[vector<16xi32>, vector<16xi32>], vector<16xf32>,
      %add3A_310 = arith.constant 16 : i32
      %add3A_311 = vector.broadcast %add3A_310 : i32 to vector<16xi32>
      %add3A_312 = arith.addi %iota3A, %add3A_311 : vector<16xi32>
      %gather3A_313 = arith.constant 2 : i32
      %gather3A_314 = arith.constant 0 : i32
      %gather3A_315 = arith.constant 0 : i32
      %gather3A_316 = tpu.memref_slice %arg6[%gather3A_313, %gather3A_314, %gather3A_315] : memref<8x32x128xf32, #tpu.memory_space<vmem>> -> memref<1x32x128xf32, #tpu.memory_space<vmem>>
      %gather3A_317 = tpu.memref_squeeze %gather3A_316 : memref<1x32x128xf32, #tpu.memory_space<vmem>> -> memref<32x128xf32, #tpu.memory_space<vmem>>
      %gather3A_318 = tpu.vector_load_idx %gather3A_317[%add3A_312, %broadcast_in_dim3A_296] : memref<32x128xf32, #tpu.memory_space<vmem>>[vector<16xi32>, vector<16xi32>], vector<16xf32>,
      %add3A_319 = arith.constant 16 : i32
      %add3A_320 = vector.broadcast %add3A_319 : i32 to vector<16xi32>
      %add3A_321 = arith.addi %iota3A, %add3A_320 : vector<16xi32>
      tpu.vector_store_idx %arg7[%add3A_321, %broadcast_in_dim3A_297], %gather3A_318 : memref<32x512xf32, #tpu.memory_space<vmem>>[vector<16xi32>, vector<16xi32>], vector<16xf32>,
      %lt3A_322 = arith.constant 64 : i32
      %lt3A_323 = arith.cmpi slt, %scan3A_154, %lt3A_322 : i32
      %convert_element_type3A_324 = arith.extui %lt3A_323 : i1 to i32
      %cond3A_325 = arith.constant 0 : i32
      %cond3A_326 = arith.cmpi ne, %convert_element_type3A_324, %cond3A_325 : i32
      scf.if %cond3A_326 {
        %slice3A_607 = vector.extract_strided_slice %get3A_164 {offsets = [2], sizes = [1], strides = [1]} : vector<16xi32> to vector<1xi32>
        %squeeze3A_608 = vector.extract %slice3A_607[0] : i32 from vector<1xi32>
        %and3A_609 = arith.constant 127 : i32
        %and3A_610 = arith.andi %squeeze3A_608, %and3A_609 : i32
        %sub3A_611 = arith.subi %squeeze3A_608, %and3A_610 : i32
        %multiple_of3A_612 = tpu.assume_multiple %sub3A_611, 128 : i32
        %dma_start3A_613 = arith.constant 2 : i32
        %dma_start3A_614 = arith.constant 0 : i32
        %dma_start3A_615 = arith.constant 0 : i32
        %dma_start3A_616 = tpu.memref_slice %arg6[%dma_start3A_613, %dma_start3A_614, %dma_start3A_615] : memref<8x32x128xf32, #tpu.memory_space<vmem>> -> memref<1x32x128xf32, #tpu.memory_space<vmem>>
        %dma_start3A_617 = tpu.memref_squeeze %dma_start3A_616 : memref<1x32x128xf32, #tpu.memory_space<vmem>> -> memref<32x128xf32, #tpu.memory_space<vmem>>
        %dma_start3A_618 = arith.constant 0 : i32
        %dma_start3A_619 = tpu.memref_slice %arg3[%dma_start3A_618, %multiple_of3A_612] : memref<32x1000000xf32, #tpu.memory_space<hbm>> -> memref<32x128xf32, #tpu.memory_space<hbm>>
        %dma_start3A_620 = arith.constant 0 : i32
        %dma_start3A_621 = arith.constant 0 : i32
        %dma_start3A_622 = tpu.memref_slice %arg6[%dma_start3A_613, %dma_start3A_620, %dma_start3A_621] : memref<8x32x128xf32, #tpu.memory_space<vmem>> -> memref<1x32x128xf32, #tpu.memory_space<vmem>>
        %dma_start3A_623 = tpu.memref_squeeze %dma_start3A_622 : memref<1x32x128xf32, #tpu.memory_space<vmem>> -> memref<32x128xf32, #tpu.memory_space<vmem>>
        %dma_start3A_624 = arith.constant 0 : i32
        %dma_start3A_625 = tpu.memref_slice %arg3[%dma_start3A_624, %multiple_of3A_612] : memref<32x1000000xf32, #tpu.memory_space<hbm>> -> memref<32x128xf32, #tpu.memory_space<hbm>>
        tpu.enqueue_dma source(%dma_start3A_625 : memref<32x128xf32, #tpu.memory_space<hbm>>) target(%dma_start3A_623 : memref<32x128xf32, #tpu.memory_space<vmem>>) target_semaphore(%arg10 : memref<!tpu.dma_semaphore, #tpu.memory_space<semaphore_mem>>)
      } else {
      }
      %dma_wait3A_327 = arith.constant 3 : i32
      %dma_wait3A_328 = arith.constant 0 : i32
      %dma_wait3A_329 = arith.constant 0 : i32
      %dma_wait3A_330 = tpu.memref_slice %arg6[%dma_wait3A_327, %dma_wait3A_328, %dma_wait3A_329] : memref<8x32x128xf32, #tpu.memory_space<vmem>> -> memref<1x32x128xf32, #tpu.memory_space<vmem>>
      %dma_wait3A_331 = tpu.memref_squeeze %dma_wait3A_330 : memref<1x32x128xf32, #tpu.memory_space<vmem>> -> memref<32x128xf32, #tpu.memory_space<vmem>>
      %dma_wait3A_332 = arith.constant 0 : i32
      %dma_wait3A_333 = arith.constant 0 : i32
      %dma_wait3A_334 = tpu.memref_slice %arg3[%dma_wait3A_332, %dma_wait3A_333] : memref<32x1000000xf32, #tpu.memory_space<hbm>> -> memref<32x128xf32, #tpu.memory_space<hbm>>
      %dma_wait3A_335 = arith.constant 0 : i32
      %dma_wait3A_336 = arith.constant 0 : i32
      %dma_wait3A_337 = tpu.memref_slice %arg6[%dma_wait3A_327, %dma_wait3A_335, %dma_wait3A_336] : memref<8x32x128xf32, #tpu.memory_space<vmem>> -> memref<1x32x128xf32, #tpu.memory_space<vmem>>
      %dma_wait3A_338 = tpu.memref_squeeze %dma_wait3A_337 : memref<1x32x128xf32, #tpu.memory_space<vmem>> -> memref<32x128xf32, #tpu.memory_space<vmem>>
      %dma_wait3A_339 = arith.constant 0 : i32
      %dma_wait3A_340 = arith.constant 0 : i32
      %dma_wait3A_341 = tpu.memref_slice %arg3[%dma_wait3A_339, %dma_wait3A_340] : memref<32x1000000xf32, #tpu.memory_space<hbm>> -> memref<32x128xf32, #tpu.memory_space<hbm>>
      tpu.wait_dma2 semaphore(%arg11 : memref<!tpu.dma_semaphore, #tpu.memory_space<semaphore_mem>>) src(%dma_wait3A_341 : memref<32x128xf32, #tpu.memory_space<hbm>>) dst(%dma_wait3A_338 : memref<32x128xf32, #tpu.memory_space<vmem>>)
      %slice3A_342 = vector.extract_strided_slice %get3A_160 {offsets = [3], sizes = [1], strides = [1]} : vector<16xi32> to vector<1xi32>
      %squeeze3A_343 = vector.extract %slice3A_342[0] : i32 from vector<1xi32>
      %sub3A_344 = arith.constant 1 : i32
      %sub3A_345 = arith.subi %scan3A_154, %sub3A_344 : i32
      %mul3A_346 = arith.constant 8 : i32
      %mul3A_347 = arith.muli %sub3A_345, %mul3A_346 : i32
      %add3A_348 = arith.constant 3 : i32
      %add3A_349 = arith.addi %mul3A_347, %add3A_348 : i32
      %and3A_350 = arith.constant 127 : i32
      %and3A_351 = arith.andi %squeeze3A_343, %and3A_350 : i32
      %broadcast_in_dim3A_352 = vector.broadcast %and3A_351 : i32 to vector<16xi32>
      %broadcast_in_dim3A_353 = vector.broadcast %add3A_349 : i32 to vector<16xi32>
      %add3A_354 = arith.constant 0 : i32
      %add3A_355 = vector.broadcast %add3A_354 : i32 to vector<16xi32>
      %add3A_356 = arith.addi %iota3A, %add3A_355 : vector<16xi32>
      %gather3A_357 = arith.constant 3 : i32
      %gather3A_358 = arith.constant 0 : i32
      %gather3A_359 = arith.constant 0 : i32
      %gather3A_360 = tpu.memref_slice %arg6[%gather3A_357, %gather3A_358, %gather3A_359] : memref<8x32x128xf32, #tpu.memory_space<vmem>> -> memref<1x32x128xf32, #tpu.memory_space<vmem>>
      %gather3A_361 = tpu.memref_squeeze %gather3A_360 : memref<1x32x128xf32, #tpu.memory_space<vmem>> -> memref<32x128xf32, #tpu.memory_space<vmem>>
      %gather3A_362 = tpu.vector_load_idx %gather3A_361[%add3A_356, %broadcast_in_dim3A_352] : memref<32x128xf32, #tpu.memory_space<vmem>>[vector<16xi32>, vector<16xi32>], vector<16xf32>,
      %add3A_363 = arith.constant 0 : i32
      %add3A_364 = vector.broadcast %add3A_363 : i32 to vector<16xi32>
      %add3A_365 = arith.addi %iota3A, %add3A_364 : vector<16xi32>
      tpu.vector_store_idx %arg7[%add3A_365, %broadcast_in_dim3A_353], %gather3A_362 : memref<32x512xf32, #tpu.memory_space<vmem>>[vector<16xi32>, vector<16xi32>], vector<16xf32>,
      %add3A_366 = arith.constant 16 : i32
      %add3A_367 = vector.broadcast %add3A_366 : i32 to vector<16xi32>
      %add3A_368 = arith.addi %iota3A, %add3A_367 : vector<16xi32>
      %gather3A_369 = arith.constant 3 : i32
      %gather3A_370 = arith.constant 0 : i32
      %gather3A_371 = arith.constant 0 : i32
      %gather3A_372 = tpu.memref_slice %arg6[%gather3A_369, %gather3A_370, %gather3A_371] : memref<8x32x128xf32, #tpu.memory_space<vmem>> -> memref<1x32x128xf32, #tpu.memory_space<vmem>>
      %gather3A_373 = tpu.memref_squeeze %gather3A_372 : memref<1x32x128xf32, #tpu.memory_space<vmem>> -> memref<32x128xf32, #tpu.memory_space<vmem>>
      %gather3A_374 = tpu.vector_load_idx %gather3A_373[%add3A_368, %broadcast_in_dim3A_352] : memref<32x128xf32, #tpu.memory_space<vmem>>[vector<16xi32>, vector<16xi32>], vector<16xf32>,
      %add3A_375 = arith.constant 16 : i32
      %add3A_376 = vector.broadcast %add3A_375 : i32 to vector<16xi32>
      %add3A_377 = arith.addi %iota3A, %add3A_376 : vector<16xi32>
      tpu.vector_store_idx %arg7[%add3A_377, %broadcast_in_dim3A_353], %gather3A_374 : memref<32x512xf32, #tpu.memory_space<vmem>>[vector<16xi32>, vector<16xi32>], vector<16xf32>,
      %lt3A_378 = arith.constant 64 : i32
      %lt3A_379 = arith.cmpi slt, %scan3A_154, %lt3A_378 : i32
      %convert_element_type3A_380 = arith.extui %lt3A_379 : i1 to i32
      %cond3A_381 = arith.constant 0 : i32
      %cond3A_382 = arith.cmpi ne, %convert_element_type3A_380, %cond3A_381 : i32
      scf.if %cond3A_382 {
        %slice3A_607 = vector.extract_strided_slice %get3A_164 {offsets = [3], sizes = [1], strides = [1]} : vector<16xi32> to vector<1xi32>
        %squeeze3A_608 = vector.extract %slice3A_607[0] : i32 from vector<1xi32>
        %and3A_609 = arith.constant 127 : i32
        %and3A_610 = arith.andi %squeeze3A_608, %and3A_609 : i32
        %sub3A_611 = arith.subi %squeeze3A_608, %and3A_610 : i32
        %multiple_of3A_612 = tpu.assume_multiple %sub3A_611, 128 : i32
        %dma_start3A_613 = arith.constant 3 : i32
        %dma_start3A_614 = arith.constant 0 : i32
        %dma_start3A_615 = arith.constant 0 : i32
        %dma_start3A_616 = tpu.memref_slice %arg6[%dma_start3A_613, %dma_start3A_614, %dma_start3A_615] : memref<8x32x128xf32, #tpu.memory_space<vmem>> -> memref<1x32x128xf32, #tpu.memory_space<vmem>>
        %dma_start3A_617 = tpu.memref_squeeze %dma_start3A_616 : memref<1x32x128xf32, #tpu.memory_space<vmem>> -> memref<32x128xf32, #tpu.memory_space<vmem>>
        %dma_start3A_618 = arith.constant 0 : i32
        %dma_start3A_619 = tpu.memref_slice %arg3[%dma_start3A_618, %multiple_of3A_612] : memref<32x1000000xf32, #tpu.memory_space<hbm>> -> memref<32x128xf32, #tpu.memory_space<hbm>>
        %dma_start3A_620 = arith.constant 0 : i32
        %dma_start3A_621 = arith.constant 0 : i32
        %dma_start3A_622 = tpu.memref_slice %arg6[%dma_start3A_613, %dma_start3A_620, %dma_start3A_621] : memref<8x32x128xf32, #tpu.memory_space<vmem>> -> memref<1x32x128xf32, #tpu.memory_space<vmem>>
        %dma_start3A_623 = tpu.memref_squeeze %dma_start3A_622 : memref<1x32x128xf32, #tpu.memory_space<vmem>> -> memref<32x128xf32, #tpu.memory_space<vmem>>
        %dma_start3A_624 = arith.constant 0 : i32
        %dma_start3A_625 = tpu.memref_slice %arg3[%dma_start3A_624, %multiple_of3A_612] : memref<32x1000000xf32, #tpu.memory_space<hbm>> -> memref<32x128xf32, #tpu.memory_space<hbm>>
        tpu.enqueue_dma source(%dma_start3A_625 : memref<32x128xf32, #tpu.memory_space<hbm>>) target(%dma_start3A_623 : memref<32x128xf32, #tpu.memory_space<vmem>>) target_semaphore(%arg11 : memref<!tpu.dma_semaphore, #tpu.memory_space<semaphore_mem>>)
      } else {
      }
      %dma_wait3A_383 = arith.constant 4 : i32
      %dma_wait3A_384 = arith.constant 0 : i32
      %dma_wait3A_385 = arith.constant 0 : i32
      %dma_wait3A_386 = tpu.memref_slice %arg6[%dma_wait3A_383, %dma_wait3A_384, %dma_wait3A_385] : memref<8x32x128xf32, #tpu.memory_space<vmem>> -> memref<1x32x128xf32, #tpu.memory_space<vmem>>
      %dma_wait3A_387 = tpu.memref_squeeze %dma_wait3A_386 : memref<1x32x128xf32, #tpu.memory_space<vmem>> -> memref<32x128xf32, #tpu.memory_space<vmem>>
      %dma_wait3A_388 = arith.constant 0 : i32
      %dma_wait3A_389 = arith.constant 0 : i32
      %dma_wait3A_390 = tpu.memref_slice %arg3[%dma_wait3A_388, %dma_wait3A_389] : memref<32x1000000xf32, #tpu.memory_space<hbm>> -> memref<32x128xf32, #tpu.memory_space<hbm>>
      %dma_wait3A_391 = arith.constant 0 : i32
      %dma_wait3A_392 = arith.constant 0 : i32
      %dma_wait3A_393 = tpu.memref_slice %arg6[%dma_wait3A_383, %dma_wait3A_391, %dma_wait3A_392] : memref<8x32x128xf32, #tpu.memory_space<vmem>> -> memref<1x32x128xf32, #tpu.memory_space<vmem>>
      %dma_wait3A_394 = tpu.memref_squeeze %dma_wait3A_393 : memref<1x32x128xf32, #tpu.memory_space<vmem>> -> memref<32x128xf32, #tpu.memory_space<vmem>>
      %dma_wait3A_395 = arith.constant 0 : i32
      %dma_wait3A_396 = arith.constant 0 : i32
      %dma_wait3A_397 = tpu.memref_slice %arg3[%dma_wait3A_395, %dma_wait3A_396] : memref<32x1000000xf32, #tpu.memory_space<hbm>> -> memref<32x128xf32, #tpu.memory_space<hbm>>
      tpu.wait_dma2 semaphore(%arg12 : memref<!tpu.dma_semaphore, #tpu.memory_space<semaphore_mem>>) src(%dma_wait3A_397 : memref<32x128xf32, #tpu.memory_space<hbm>>) dst(%dma_wait3A_394 : memref<32x128xf32, #tpu.memory_space<vmem>>)
      %slice3A_398 = vector.extract_strided_slice %get3A_160 {offsets = [4], sizes = [1], strides = [1]} : vector<16xi32> to vector<1xi32>
      %squeeze3A_399 = vector.extract %slice3A_398[0] : i32 from vector<1xi32>
      %sub3A_400 = arith.constant 1 : i32
      %sub3A_401 = arith.subi %scan3A_154, %sub3A_400 : i32
      %mul3A_402 = arith.constant 8 : i32
      %mul3A_403 = arith.muli %sub3A_401, %mul3A_402 : i32
      %add3A_404 = arith.constant 4 : i32
      %add3A_405 = arith.addi %mul3A_403, %add3A_404 : i32
      %and3A_406 = arith.constant 127 : i32
      %and3A_407 = arith.andi %squeeze3A_399, %and3A_406 : i32
      %broadcast_in_dim3A_408 = vector.broadcast %and3A_407 : i32 to vector<16xi32>
      %broadcast_in_dim3A_409 = vector.broadcast %add3A_405 : i32 to vector<16xi32>
      %add3A_410 = arith.constant 0 : i32
      %add3A_411 = vector.broadcast %add3A_410 : i32 to vector<16xi32>
      %add3A_412 = arith.addi %iota3A, %add3A_411 : vector<16xi32>
      %gather3A_413 = arith.constant 4 : i32
      %gather3A_414 = arith.constant 0 : i32
      %gather3A_415 = arith.constant 0 : i32
      %gather3A_416 = tpu.memref_slice %arg6[%gather3A_413, %gather3A_414, %gather3A_415] : memref<8x32x128xf32, #tpu.memory_space<vmem>> -> memref<1x32x128xf32, #tpu.memory_space<vmem>>
      %gather3A_417 = tpu.memref_squeeze %gather3A_416 : memref<1x32x128xf32, #tpu.memory_space<vmem>> -> memref<32x128xf32, #tpu.memory_space<vmem>>
      %gather3A_418 = tpu.vector_load_idx %gather3A_417[%add3A_412, %broadcast_in_dim3A_408] : memref<32x128xf32, #tpu.memory_space<vmem>>[vector<16xi32>, vector<16xi32>], vector<16xf32>,
      %add3A_419 = arith.constant 0 : i32
      %add3A_420 = vector.broadcast %add3A_419 : i32 to vector<16xi32>
      %add3A_421 = arith.addi %iota3A, %add3A_420 : vector<16xi32>
      tpu.vector_store_idx %arg7[%add3A_421, %broadcast_in_dim3A_409], %gather3A_418 : memref<32x512xf32, #tpu.memory_space<vmem>>[vector<16xi32>, vector<16xi32>], vector<16xf32>,
      %add3A_422 = arith.constant 16 : i32
      %add3A_423 = vector.broadcast %add3A_422 : i32 to vector<16xi32>
      %add3A_424 = arith.addi %iota3A, %add3A_423 : vector<16xi32>
      %gather3A_425 = arith.constant 4 : i32
      %gather3A_426 = arith.constant 0 : i32
      %gather3A_427 = arith.constant 0 : i32
      %gather3A_428 = tpu.memref_slice %arg6[%gather3A_425, %gather3A_426, %gather3A_427] : memref<8x32x128xf32, #tpu.memory_space<vmem>> -> memref<1x32x128xf32, #tpu.memory_space<vmem>>
      %gather3A_429 = tpu.memref_squeeze %gather3A_428 : memref<1x32x128xf32, #tpu.memory_space<vmem>> -> memref<32x128xf32, #tpu.memory_space<vmem>>
      %gather3A_430 = tpu.vector_load_idx %gather3A_429[%add3A_424, %broadcast_in_dim3A_408] : memref<32x128xf32, #tpu.memory_space<vmem>>[vector<16xi32>, vector<16xi32>], vector<16xf32>,
      %add3A_431 = arith.constant 16 : i32
      %add3A_432 = vector.broadcast %add3A_431 : i32 to vector<16xi32>
      %add3A_433 = arith.addi %iota3A, %add3A_432 : vector<16xi32>
      tpu.vector_store_idx %arg7[%add3A_433, %broadcast_in_dim3A_409], %gather3A_430 : memref<32x512xf32, #tpu.memory_space<vmem>>[vector<16xi32>, vector<16xi32>], vector<16xf32>,
      %lt3A_434 = arith.constant 64 : i32
      %lt3A_435 = arith.cmpi slt, %scan3A_154, %lt3A_434 : i32
      %convert_element_type3A_436 = arith.extui %lt3A_435 : i1 to i32
      %cond3A_437 = arith.constant 0 : i32
      %cond3A_438 = arith.cmpi ne, %convert_element_type3A_436, %cond3A_437 : i32
      scf.if %cond3A_438 {
        %slice3A_607 = vector.extract_strided_slice %get3A_164 {offsets = [4], sizes = [1], strides = [1]} : vector<16xi32> to vector<1xi32>
        %squeeze3A_608 = vector.extract %slice3A_607[0] : i32 from vector<1xi32>
        %and3A_609 = arith.constant 127 : i32
        %and3A_610 = arith.andi %squeeze3A_608, %and3A_609 : i32
        %sub3A_611 = arith.subi %squeeze3A_608, %and3A_610 : i32
        %multiple_of3A_612 = tpu.assume_multiple %sub3A_611, 128 : i32
        %dma_start3A_613 = arith.constant 4 : i32
        %dma_start3A_614 = arith.constant 0 : i32
        %dma_start3A_615 = arith.constant 0 : i32
        %dma_start3A_616 = tpu.memref_slice %arg6[%dma_start3A_613, %dma_start3A_614, %dma_start3A_615] : memref<8x32x128xf32, #tpu.memory_space<vmem>> -> memref<1x32x128xf32, #tpu.memory_space<vmem>>
        %dma_start3A_617 = tpu.memref_squeeze %dma_start3A_616 : memref<1x32x128xf32, #tpu.memory_space<vmem>> -> memref<32x128xf32, #tpu.memory_space<vmem>>
        %dma_start3A_618 = arith.constant 0 : i32
        %dma_start3A_619 = tpu.memref_slice %arg3[%dma_start3A_618, %multiple_of3A_612] : memref<32x1000000xf32, #tpu.memory_space<hbm>> -> memref<32x128xf32, #tpu.memory_space<hbm>>
        %dma_start3A_620 = arith.constant 0 : i32
        %dma_start3A_621 = arith.constant 0 : i32
        %dma_start3A_622 = tpu.memref_slice %arg6[%dma_start3A_613, %dma_start3A_620, %dma_start3A_621] : memref<8x32x128xf32, #tpu.memory_space<vmem>> -> memref<1x32x128xf32, #tpu.memory_space<vmem>>
        %dma_start3A_623 = tpu.memref_squeeze %dma_start3A_622 : memref<1x32x128xf32, #tpu.memory_space<vmem>> -> memref<32x128xf32, #tpu.memory_space<vmem>>
        %dma_start3A_624 = arith.constant 0 : i32
        %dma_start3A_625 = tpu.memref_slice %arg3[%dma_start3A_624, %multiple_of3A_612] : memref<32x1000000xf32, #tpu.memory_space<hbm>> -> memref<32x128xf32, #tpu.memory_space<hbm>>
        tpu.enqueue_dma source(%dma_start3A_625 : memref<32x128xf32, #tpu.memory_space<hbm>>) target(%dma_start3A_623 : memref<32x128xf32, #tpu.memory_space<vmem>>) target_semaphore(%arg12 : memref<!tpu.dma_semaphore, #tpu.memory_space<semaphore_mem>>)
      } else {
      }
      %dma_wait3A_439 = arith.constant 5 : i32
      %dma_wait3A_440 = arith.constant 0 : i32
      %dma_wait3A_441 = arith.constant 0 : i32
      %dma_wait3A_442 = tpu.memref_slice %arg6[%dma_wait3A_439, %dma_wait3A_440, %dma_wait3A_441] : memref<8x32x128xf32, #tpu.memory_space<vmem>> -> memref<1x32x128xf32, #tpu.memory_space<vmem>>
      %dma_wait3A_443 = tpu.memref_squeeze %dma_wait3A_442 : memref<1x32x128xf32, #tpu.memory_space<vmem>> -> memref<32x128xf32, #tpu.memory_space<vmem>>
      %dma_wait3A_444 = arith.constant 0 : i32
      %dma_wait3A_445 = arith.constant 0 : i32
      %dma_wait3A_446 = tpu.memref_slice %arg3[%dma_wait3A_444, %dma_wait3A_445] : memref<32x1000000xf32, #tpu.memory_space<hbm>> -> memref<32x128xf32, #tpu.memory_space<hbm>>
      %dma_wait3A_447 = arith.constant 0 : i32
      %dma_wait3A_448 = arith.constant 0 : i32
      %dma_wait3A_449 = tpu.memref_slice %arg6[%dma_wait3A_439, %dma_wait3A_447, %dma_wait3A_448] : memref<8x32x128xf32, #tpu.memory_space<vmem>> -> memref<1x32x128xf32, #tpu.memory_space<vmem>>
      %dma_wait3A_450 = tpu.memref_squeeze %dma_wait3A_449 : memref<1x32x128xf32, #tpu.memory_space<vmem>> -> memref<32x128xf32, #tpu.memory_space<vmem>>
      %dma_wait3A_451 = arith.constant 0 : i32
      %dma_wait3A_452 = arith.constant 0 : i32
      %dma_wait3A_453 = tpu.memref_slice %arg3[%dma_wait3A_451, %dma_wait3A_452] : memref<32x1000000xf32, #tpu.memory_space<hbm>> -> memref<32x128xf32, #tpu.memory_space<hbm>>
      tpu.wait_dma2 semaphore(%arg13 : memref<!tpu.dma_semaphore, #tpu.memory_space<semaphore_mem>>) src(%dma_wait3A_453 : memref<32x128xf32, #tpu.memory_space<hbm>>) dst(%dma_wait3A_450 : memref<32x128xf32, #tpu.memory_space<vmem>>)
      %slice3A_454 = vector.extract_strided_slice %get3A_160 {offsets = [5], sizes = [1], strides = [1]} : vector<16xi32> to vector<1xi32>
      %squeeze3A_455 = vector.extract %slice3A_454[0] : i32 from vector<1xi32>
      %sub3A_456 = arith.constant 1 : i32
      %sub3A_457 = arith.subi %scan3A_154, %sub3A_456 : i32
      %mul3A_458 = arith.constant 8 : i32
      %mul3A_459 = arith.muli %sub3A_457, %mul3A_458 : i32
      %add3A_460 = arith.constant 5 : i32
      %add3A_461 = arith.addi %mul3A_459, %add3A_460 : i32
      %and3A_462 = arith.constant 127 : i32
      %and3A_463 = arith.andi %squeeze3A_455, %and3A_462 : i32
      %broadcast_in_dim3A_464 = vector.broadcast %and3A_463 : i32 to vector<16xi32>
      %broadcast_in_dim3A_465 = vector.broadcast %add3A_461 : i32 to vector<16xi32>
      %add3A_466 = arith.constant 0 : i32
      %add3A_467 = vector.broadcast %add3A_466 : i32 to vector<16xi32>
      %add3A_468 = arith.addi %iota3A, %add3A_467 : vector<16xi32>
      %gather3A_469 = arith.constant 5 : i32
      %gather3A_470 = arith.constant 0 : i32
      %gather3A_471 = arith.constant 0 : i32
      %gather3A_472 = tpu.memref_slice %arg6[%gather3A_469, %gather3A_470, %gather3A_471] : memref<8x32x128xf32, #tpu.memory_space<vmem>> -> memref<1x32x128xf32, #tpu.memory_space<vmem>>
      %gather3A_473 = tpu.memref_squeeze %gather3A_472 : memref<1x32x128xf32, #tpu.memory_space<vmem>> -> memref<32x128xf32, #tpu.memory_space<vmem>>
      %gather3A_474 = tpu.vector_load_idx %gather3A_473[%add3A_468, %broadcast_in_dim3A_464] : memref<32x128xf32, #tpu.memory_space<vmem>>[vector<16xi32>, vector<16xi32>], vector<16xf32>,
      %add3A_475 = arith.constant 0 : i32
      %add3A_476 = vector.broadcast %add3A_475 : i32 to vector<16xi32>
      %add3A_477 = arith.addi %iota3A, %add3A_476 : vector<16xi32>
      tpu.vector_store_idx %arg7[%add3A_477, %broadcast_in_dim3A_465], %gather3A_474 : memref<32x512xf32, #tpu.memory_space<vmem>>[vector<16xi32>, vector<16xi32>], vector<16xf32>,
      %add3A_478 = arith.constant 16 : i32
      %add3A_479 = vector.broadcast %add3A_478 : i32 to vector<16xi32>
      %add3A_480 = arith.addi %iota3A, %add3A_479 : vector<16xi32>
      %gather3A_481 = arith.constant 5 : i32
      %gather3A_482 = arith.constant 0 : i32
      %gather3A_483 = arith.constant 0 : i32
      %gather3A_484 = tpu.memref_slice %arg6[%gather3A_481, %gather3A_482, %gather3A_483] : memref<8x32x128xf32, #tpu.memory_space<vmem>> -> memref<1x32x128xf32, #tpu.memory_space<vmem>>
      %gather3A_485 = tpu.memref_squeeze %gather3A_484 : memref<1x32x128xf32, #tpu.memory_space<vmem>> -> memref<32x128xf32, #tpu.memory_space<vmem>>
      %gather3A_486 = tpu.vector_load_idx %gather3A_485[%add3A_480, %broadcast_in_dim3A_464] : memref<32x128xf32, #tpu.memory_space<vmem>>[vector<16xi32>, vector<16xi32>], vector<16xf32>,
      %add3A_487 = arith.constant 16 : i32
      %add3A_488 = vector.broadcast %add3A_487 : i32 to vector<16xi32>
      %add3A_489 = arith.addi %iota3A, %add3A_488 : vector<16xi32>
      tpu.vector_store_idx %arg7[%add3A_489, %broadcast_in_dim3A_465], %gather3A_486 : memref<32x512xf32, #tpu.memory_space<vmem>>[vector<16xi32>, vector<16xi32>], vector<16xf32>,
      %lt3A_490 = arith.constant 64 : i32
      %lt3A_491 = arith.cmpi slt, %scan3A_154, %lt3A_490 : i32
      %convert_element_type3A_492 = arith.extui %lt3A_491 : i1 to i32
      %cond3A_493 = arith.constant 0 : i32
      %cond3A_494 = arith.cmpi ne, %convert_element_type3A_492, %cond3A_493 : i32
      scf.if %cond3A_494 {
        %slice3A_607 = vector.extract_strided_slice %get3A_164 {offsets = [5], sizes = [1], strides = [1]} : vector<16xi32> to vector<1xi32>
        %squeeze3A_608 = vector.extract %slice3A_607[0] : i32 from vector<1xi32>
        %and3A_609 = arith.constant 127 : i32
        %and3A_610 = arith.andi %squeeze3A_608, %and3A_609 : i32
        %sub3A_611 = arith.subi %squeeze3A_608, %and3A_610 : i32
        %multiple_of3A_612 = tpu.assume_multiple %sub3A_611, 128 : i32
        %dma_start3A_613 = arith.constant 5 : i32
        %dma_start3A_614 = arith.constant 0 : i32
        %dma_start3A_615 = arith.constant 0 : i32
        %dma_start3A_616 = tpu.memref_slice %arg6[%dma_start3A_613, %dma_start3A_614, %dma_start3A_615] : memref<8x32x128xf32, #tpu.memory_space<vmem>> -> memref<1x32x128xf32, #tpu.memory_space<vmem>>
        %dma_start3A_617 = tpu.memref_squeeze %dma_start3A_616 : memref<1x32x128xf32, #tpu.memory_space<vmem>> -> memref<32x128xf32, #tpu.memory_space<vmem>>
        %dma_start3A_618 = arith.constant 0 : i32
        %dma_start3A_619 = tpu.memref_slice %arg3[%dma_start3A_618, %multiple_of3A_612] : memref<32x1000000xf32, #tpu.memory_space<hbm>> -> memref<32x128xf32, #tpu.memory_space<hbm>>
        %dma_start3A_620 = arith.constant 0 : i32
        %dma_start3A_621 = arith.constant 0 : i32
        %dma_start3A_622 = tpu.memref_slice %arg6[%dma_start3A_613, %dma_start3A_620, %dma_start3A_621] : memref<8x32x128xf32, #tpu.memory_space<vmem>> -> memref<1x32x128xf32, #tpu.memory_space<vmem>>
        %dma_start3A_623 = tpu.memref_squeeze %dma_start3A_622 : memref<1x32x128xf32, #tpu.memory_space<vmem>> -> memref<32x128xf32, #tpu.memory_space<vmem>>
        %dma_start3A_624 = arith.constant 0 : i32
        %dma_start3A_625 = tpu.memref_slice %arg3[%dma_start3A_624, %multiple_of3A_612] : memref<32x1000000xf32, #tpu.memory_space<hbm>> -> memref<32x128xf32, #tpu.memory_space<hbm>>
        tpu.enqueue_dma source(%dma_start3A_625 : memref<32x128xf32, #tpu.memory_space<hbm>>) target(%dma_start3A_623 : memref<32x128xf32, #tpu.memory_space<vmem>>) target_semaphore(%arg13 : memref<!tpu.dma_semaphore, #tpu.memory_space<semaphore_mem>>)
      } else {
      }
      %dma_wait3A_495 = arith.constant 6 : i32
      %dma_wait3A_496 = arith.constant 0 : i32
      %dma_wait3A_497 = arith.constant 0 : i32
      %dma_wait3A_498 = tpu.memref_slice %arg6[%dma_wait3A_495, %dma_wait3A_496, %dma_wait3A_497] : memref<8x32x128xf32, #tpu.memory_space<vmem>> -> memref<1x32x128xf32, #tpu.memory_space<vmem>>
      %dma_wait3A_499 = tpu.memref_squeeze %dma_wait3A_498 : memref<1x32x128xf32, #tpu.memory_space<vmem>> -> memref<32x128xf32, #tpu.memory_space<vmem>>
      %dma_wait3A_500 = arith.constant 0 : i32
      %dma_wait3A_501 = arith.constant 0 : i32
      %dma_wait3A_502 = tpu.memref_slice %arg3[%dma_wait3A_500, %dma_wait3A_501] : memref<32x1000000xf32, #tpu.memory_space<hbm>> -> memref<32x128xf32, #tpu.memory_space<hbm>>
      %dma_wait3A_503 = arith.constant 0 : i32
      %dma_wait3A_504 = arith.constant 0 : i32
      %dma_wait3A_505 = tpu.memref_slice %arg6[%dma_wait3A_495, %dma_wait3A_503, %dma_wait3A_504] : memref<8x32x128xf32, #tpu.memory_space<vmem>> -> memref<1x32x128xf32, #tpu.memory_space<vmem>>
      %dma_wait3A_506 = tpu.memref_squeeze %dma_wait3A_505 : memref<1x32x128xf32, #tpu.memory_space<vmem>> -> memref<32x128xf32, #tpu.memory_space<vmem>>
      %dma_wait3A_507 = arith.constant 0 : i32
      %dma_wait3A_508 = arith.constant 0 : i32
      %dma_wait3A_509 = tpu.memref_slice %arg3[%dma_wait3A_507, %dma_wait3A_508] : memref<32x1000000xf32, #tpu.memory_space<hbm>> -> memref<32x128xf32, #tpu.memory_space<hbm>>
      tpu.wait_dma2 semaphore(%arg14 : memref<!tpu.dma_semaphore, #tpu.memory_space<semaphore_mem>>) src(%dma_wait3A_509 : memref<32x128xf32, #tpu.memory_space<hbm>>) dst(%dma_wait3A_506 : memref<32x128xf32, #tpu.memory_space<vmem>>)
      %slice3A_510 = vector.extract_strided_slice %get3A_160 {offsets = [6], sizes = [1], strides = [1]} : vector<16xi32> to vector<1xi32>
      %squeeze3A_511 = vector.extract %slice3A_510[0] : i32 from vector<1xi32>
      %sub3A_512 = arith.constant 1 : i32
      %sub3A_513 = arith.subi %scan3A_154, %sub3A_512 : i32
      %mul3A_514 = arith.constant 8 : i32
      %mul3A_515 = arith.muli %sub3A_513, %mul3A_514 : i32
      %add3A_516 = arith.constant 6 : i32
      %add3A_517 = arith.addi %mul3A_515, %add3A_516 : i32
      %and3A_518 = arith.constant 127 : i32
      %and3A_519 = arith.andi %squeeze3A_511, %and3A_518 : i32
      %broadcast_in_dim3A_520 = vector.broadcast %and3A_519 : i32 to vector<16xi32>
      %broadcast_in_dim3A_521 = vector.broadcast %add3A_517 : i32 to vector<16xi32>
      %add3A_522 = arith.constant 0 : i32
      %add3A_523 = vector.broadcast %add3A_522 : i32 to vector<16xi32>
      %add3A_524 = arith.addi %iota3A, %add3A_523 : vector<16xi32>
      %gather3A_525 = arith.constant 6 : i32
      %gather3A_526 = arith.constant 0 : i32
      %gather3A_527 = arith.constant 0 : i32
      %gather3A_528 = tpu.memref_slice %arg6[%gather3A_525, %gather3A_526, %gather3A_527] : memref<8x32x128xf32, #tpu.memory_space<vmem>> -> memref<1x32x128xf32, #tpu.memory_space<vmem>>
      %gather3A_529 = tpu.memref_squeeze %gather3A_528 : memref<1x32x128xf32, #tpu.memory_space<vmem>> -> memref<32x128xf32, #tpu.memory_space<vmem>>
      %gather3A_530 = tpu.vector_load_idx %gather3A_529[%add3A_524, %broadcast_in_dim3A_520] : memref<32x128xf32, #tpu.memory_space<vmem>>[vector<16xi32>, vector<16xi32>], vector<16xf32>,
      %add3A_531 = arith.constant 0 : i32
      %add3A_532 = vector.broadcast %add3A_531 : i32 to vector<16xi32>
      %add3A_533 = arith.addi %iota3A, %add3A_532 : vector<16xi32>
      tpu.vector_store_idx %arg7[%add3A_533, %broadcast_in_dim3A_521], %gather3A_530 : memref<32x512xf32, #tpu.memory_space<vmem>>[vector<16xi32>, vector<16xi32>], vector<16xf32>,
      %add3A_534 = arith.constant 16 : i32
      %add3A_535 = vector.broadcast %add3A_534 : i32 to vector<16xi32>
      %add3A_536 = arith.addi %iota3A, %add3A_535 : vector<16xi32>
      %gather3A_537 = arith.constant 6 : i32
      %gather3A_538 = arith.constant 0 : i32
      %gather3A_539 = arith.constant 0 : i32
      %gather3A_540 = tpu.memref_slice %arg6[%gather3A_537, %gather3A_538, %gather3A_539] : memref<8x32x128xf32, #tpu.memory_space<vmem>> -> memref<1x32x128xf32, #tpu.memory_space<vmem>>
      %gather3A_541 = tpu.memref_squeeze %gather3A_540 : memref<1x32x128xf32, #tpu.memory_space<vmem>> -> memref<32x128xf32, #tpu.memory_space<vmem>>
      %gather3A_542 = tpu.vector_load_idx %gather3A_541[%add3A_536, %broadcast_in_dim3A_520] : memref<32x128xf32, #tpu.memory_space<vmem>>[vector<16xi32>, vector<16xi32>], vector<16xf32>,
      %add3A_543 = arith.constant 16 : i32
      %add3A_544 = vector.broadcast %add3A_543 : i32 to vector<16xi32>
      %add3A_545 = arith.addi %iota3A, %add3A_544 : vector<16xi32>
      tpu.vector_store_idx %arg7[%add3A_545, %broadcast_in_dim3A_521], %gather3A_542 : memref<32x512xf32, #tpu.memory_space<vmem>>[vector<16xi32>, vector<16xi32>], vector<16xf32>,
      %lt3A_546 = arith.constant 64 : i32
      %lt3A_547 = arith.cmpi slt, %scan3A_154, %lt3A_546 : i32
      %convert_element_type3A_548 = arith.extui %lt3A_547 : i1 to i32
      %cond3A_549 = arith.constant 0 : i32
      %cond3A_550 = arith.cmpi ne, %convert_element_type3A_548, %cond3A_549 : i32
      scf.if %cond3A_550 {
        %slice3A_607 = vector.extract_strided_slice %get3A_164 {offsets = [6], sizes = [1], strides = [1]} : vector<16xi32> to vector<1xi32>
        %squeeze3A_608 = vector.extract %slice3A_607[0] : i32 from vector<1xi32>
        %and3A_609 = arith.constant 127 : i32
        %and3A_610 = arith.andi %squeeze3A_608, %and3A_609 : i32
        %sub3A_611 = arith.subi %squeeze3A_608, %and3A_610 : i32
        %multiple_of3A_612 = tpu.assume_multiple %sub3A_611, 128 : i32
        %dma_start3A_613 = arith.constant 6 : i32
        %dma_start3A_614 = arith.constant 0 : i32
        %dma_start3A_615 = arith.constant 0 : i32
        %dma_start3A_616 = tpu.memref_slice %arg6[%dma_start3A_613, %dma_start3A_614, %dma_start3A_615] : memref<8x32x128xf32, #tpu.memory_space<vmem>> -> memref<1x32x128xf32, #tpu.memory_space<vmem>>
        %dma_start3A_617 = tpu.memref_squeeze %dma_start3A_616 : memref<1x32x128xf32, #tpu.memory_space<vmem>> -> memref<32x128xf32, #tpu.memory_space<vmem>>
        %dma_start3A_618 = arith.constant 0 : i32
        %dma_start3A_619 = tpu.memref_slice %arg3[%dma_start3A_618, %multiple_of3A_612] : memref<32x1000000xf32, #tpu.memory_space<hbm>> -> memref<32x128xf32, #tpu.memory_space<hbm>>
        %dma_start3A_620 = arith.constant 0 : i32
        %dma_start3A_621 = arith.constant 0 : i32
        %dma_start3A_622 = tpu.memref_slice %arg6[%dma_start3A_613, %dma_start3A_620, %dma_start3A_621] : memref<8x32x128xf32, #tpu.memory_space<vmem>> -> memref<1x32x128xf32, #tpu.memory_space<vmem>>
        %dma_start3A_623 = tpu.memref_squeeze %dma_start3A_622 : memref<1x32x128xf32, #tpu.memory_space<vmem>> -> memref<32x128xf32, #tpu.memory_space<vmem>>
        %dma_start3A_624 = arith.constant 0 : i32
        %dma_start3A_625 = tpu.memref_slice %arg3[%dma_start3A_624, %multiple_of3A_612] : memref<32x1000000xf32, #tpu.memory_space<hbm>> -> memref<32x128xf32, #tpu.memory_space<hbm>>
        tpu.enqueue_dma source(%dma_start3A_625 : memref<32x128xf32, #tpu.memory_space<hbm>>) target(%dma_start3A_623 : memref<32x128xf32, #tpu.memory_space<vmem>>) target_semaphore(%arg14 : memref<!tpu.dma_semaphore, #tpu.memory_space<semaphore_mem>>)
      } else {
      }
      %dma_wait3A_551 = arith.constant 7 : i32
      %dma_wait3A_552 = arith.constant 0 : i32
      %dma_wait3A_553 = arith.constant 0 : i32
      %dma_wait3A_554 = tpu.memref_slice %arg6[%dma_wait3A_551, %dma_wait3A_552, %dma_wait3A_553] : memref<8x32x128xf32, #tpu.memory_space<vmem>> -> memref<1x32x128xf32, #tpu.memory_space<vmem>>
      %dma_wait3A_555 = tpu.memref_squeeze %dma_wait3A_554 : memref<1x32x128xf32, #tpu.memory_space<vmem>> -> memref<32x128xf32, #tpu.memory_space<vmem>>
      %dma_wait3A_556 = arith.constant 0 : i32
      %dma_wait3A_557 = arith.constant 0 : i32
      %dma_wait3A_558 = tpu.memref_slice %arg3[%dma_wait3A_556, %dma_wait3A_557] : memref<32x1000000xf32, #tpu.memory_space<hbm>> -> memref<32x128xf32, #tpu.memory_space<hbm>>
      %dma_wait3A_559 = arith.constant 0 : i32
      %dma_wait3A_560 = arith.constant 0 : i32
      %dma_wait3A_561 = tpu.memref_slice %arg6[%dma_wait3A_551, %dma_wait3A_559, %dma_wait3A_560] : memref<8x32x128xf32, #tpu.memory_space<vmem>> -> memref<1x32x128xf32, #tpu.memory_space<vmem>>
      %dma_wait3A_562 = tpu.memref_squeeze %dma_wait3A_561 : memref<1x32x128xf32, #tpu.memory_space<vmem>> -> memref<32x128xf32, #tpu.memory_space<vmem>>
      %dma_wait3A_563 = arith.constant 0 : i32
      %dma_wait3A_564 = arith.constant 0 : i32
      %dma_wait3A_565 = tpu.memref_slice %arg3[%dma_wait3A_563, %dma_wait3A_564] : memref<32x1000000xf32, #tpu.memory_space<hbm>> -> memref<32x128xf32, #tpu.memory_space<hbm>>
      tpu.wait_dma2 semaphore(%arg15 : memref<!tpu.dma_semaphore, #tpu.memory_space<semaphore_mem>>) src(%dma_wait3A_565 : memref<32x128xf32, #tpu.memory_space<hbm>>) dst(%dma_wait3A_562 : memref<32x128xf32, #tpu.memory_space<vmem>>)
      %slice3A_566 = vector.extract_strided_slice %get3A_160 {offsets = [7], sizes = [1], strides = [1]} : vector<16xi32> to vector<1xi32>
      %squeeze3A_567 = vector.extract %slice3A_566[0] : i32 from vector<1xi32>
      %sub3A_568 = arith.constant 1 : i32
      %sub3A_569 = arith.subi %scan3A_154, %sub3A_568 : i32
      %mul3A_570 = arith.constant 8 : i32
      %mul3A_571 = arith.muli %sub3A_569, %mul3A_570 : i32
      %add3A_572 = arith.constant 7 : i32
      %add3A_573 = arith.addi %mul3A_571, %add3A_572 : i32
      %and3A_574 = arith.constant 127 : i32
      %and3A_575 = arith.andi %squeeze3A_567, %and3A_574 : i32
      %broadcast_in_dim3A_576 = vector.broadcast %and3A_575 : i32 to vector<16xi32>
      %broadcast_in_dim3A_577 = vector.broadcast %add3A_573 : i32 to vector<16xi32>
      %add3A_578 = arith.constant 0 : i32
      %add3A_579 = vector.broadcast %add3A_578 : i32 to vector<16xi32>
      %add3A_580 = arith.addi %iota3A, %add3A_579 : vector<16xi32>
      %gather3A_581 = arith.constant 7 : i32
      %gather3A_582 = arith.constant 0 : i32
      %gather3A_583 = arith.constant 0 : i32
      %gather3A_584 = tpu.memref_slice %arg6[%gather3A_581, %gather3A_582, %gather3A_583] : memref<8x32x128xf32, #tpu.memory_space<vmem>> -> memref<1x32x128xf32, #tpu.memory_space<vmem>>
      %gather3A_585 = tpu.memref_squeeze %gather3A_584 : memref<1x32x128xf32, #tpu.memory_space<vmem>> -> memref<32x128xf32, #tpu.memory_space<vmem>>
      %gather3A_586 = tpu.vector_load_idx %gather3A_585[%add3A_580, %broadcast_in_dim3A_576] : memref<32x128xf32, #tpu.memory_space<vmem>>[vector<16xi32>, vector<16xi32>], vector<16xf32>,
      %add3A_587 = arith.constant 0 : i32
      %add3A_588 = vector.broadcast %add3A_587 : i32 to vector<16xi32>
      %add3A_589 = arith.addi %iota3A, %add3A_588 : vector<16xi32>
      tpu.vector_store_idx %arg7[%add3A_589, %broadcast_in_dim3A_577], %gather3A_586 : memref<32x512xf32, #tpu.memory_space<vmem>>[vector<16xi32>, vector<16xi32>], vector<16xf32>,
      %add3A_590 = arith.constant 16 : i32
      %add3A_591 = vector.broadcast %add3A_590 : i32 to vector<16xi32>
      %add3A_592 = arith.addi %iota3A, %add3A_591 : vector<16xi32>
      %gather3A_593 = arith.constant 7 : i32
      %gather3A_594 = arith.constant 0 : i32
      %gather3A_595 = arith.constant 0 : i32
      %gather3A_596 = tpu.memref_slice %arg6[%gather3A_593, %gather3A_594, %gather3A_595] : memref<8x32x128xf32, #tpu.memory_space<vmem>> -> memref<1x32x128xf32, #tpu.memory_space<vmem>>
      %gather3A_597 = tpu.memref_squeeze %gather3A_596 : memref<1x32x128xf32, #tpu.memory_space<vmem>> -> memref<32x128xf32, #tpu.memory_space<vmem>>
      %gather3A_598 = tpu.vector_load_idx %gather3A_597[%add3A_592, %broadcast_in_dim3A_576] : memref<32x128xf32, #tpu.memory_space<vmem>>[vector<16xi32>, vector<16xi32>], vector<16xf32>,
      %add3A_599 = arith.constant 16 : i32
      %add3A_600 = vector.broadcast %add3A_599 : i32 to vector<16xi32>
      %add3A_601 = arith.addi %iota3A, %add3A_600 : vector<16xi32>
      tpu.vector_store_idx %arg7[%add3A_601, %broadcast_in_dim3A_577], %gather3A_598 : memref<32x512xf32, #tpu.memory_space<vmem>>[vector<16xi32>, vector<16xi32>], vector<16xf32>,
      %lt3A_602 = arith.constant 64 : i32
      %lt3A_603 = arith.cmpi slt, %scan3A_154, %lt3A_602 : i32
      %convert_element_type3A_604 = arith.extui %lt3A_603 : i1 to i32
      %cond3A_605 = arith.constant 0 : i32
      %cond3A_606 = arith.cmpi ne, %convert_element_type3A_604, %cond3A_605 : i32
      scf.if %cond3A_606 {
        %slice3A_607 = vector.extract_strided_slice %get3A_164 {offsets = [7], sizes = [1], strides = [1]} : vector<16xi32> to vector<1xi32>
        %squeeze3A_608 = vector.extract %slice3A_607[0] : i32 from vector<1xi32>
        %and3A_609 = arith.constant 127 : i32
        %and3A_610 = arith.andi %squeeze3A_608, %and3A_609 : i32
        %sub3A_611 = arith.subi %squeeze3A_608, %and3A_610 : i32
        %multiple_of3A_612 = tpu.assume_multiple %sub3A_611, 128 : i32
        %dma_start3A_613 = arith.constant 7 : i32
        %dma_start3A_614 = arith.constant 0 : i32
        %dma_start3A_615 = arith.constant 0 : i32
        %dma_start3A_616 = tpu.memref_slice %arg6[%dma_start3A_613, %dma_start3A_614, %dma_start3A_615] : memref<8x32x128xf32, #tpu.memory_space<vmem>> -> memref<1x32x128xf32, #tpu.memory_space<vmem>>
        %dma_start3A_617 = tpu.memref_squeeze %dma_start3A_616 : memref<1x32x128xf32, #tpu.memory_space<vmem>> -> memref<32x128xf32, #tpu.memory_space<vmem>>
        %dma_start3A_618 = arith.constant 0 : i32
        %dma_start3A_619 = tpu.memref_slice %arg3[%dma_start3A_618, %multiple_of3A_612] : memref<32x1000000xf32, #tpu.memory_space<hbm>> -> memref<32x128xf32, #tpu.memory_space<hbm>>
        %dma_start3A_620 = arith.constant 0 : i32
        %dma_start3A_621 = arith.constant 0 : i32
        %dma_start3A_622 = tpu.memref_slice %arg6[%dma_start3A_613, %dma_start3A_620, %dma_start3A_621] : memref<8x32x128xf32, #tpu.memory_space<vmem>> -> memref<1x32x128xf32, #tpu.memory_space<vmem>>
        %dma_start3A_623 = tpu.memref_squeeze %dma_start3A_622 : memref<1x32x128xf32, #tpu.memory_space<vmem>> -> memref<32x128xf32, #tpu.memory_space<vmem>>
        %dma_start3A_624 = arith.constant 0 : i32
        %dma_start3A_625 = tpu.memref_slice %arg3[%dma_start3A_624, %multiple_of3A_612] : memref<32x1000000xf32, #tpu.memory_space<hbm>> -> memref<32x128xf32, #tpu.memory_space<hbm>>
        tpu.enqueue_dma source(%dma_start3A_625 : memref<32x128xf32, #tpu.memory_space<hbm>>) target(%dma_start3A_623 : memref<32x128xf32, #tpu.memory_space<vmem>>) target_semaphore(%arg15 : memref<!tpu.dma_semaphore, #tpu.memory_space<semaphore_mem>>)
      } else {
      }
    }
    %scan3A_153 = arith.constant 64 : i32
    "tpu.region"() ({
      %run_scoped3A = tpu.sem_alloc : memref<!tpu.dma_semaphore, #tpu.memory_space<semaphore_mem>>
      %dma_start3A_154 = arith.constant 0 : i32
      %dma_start3A_155 = tpu.memref_slice %arg4[%dma_start3A_154, %mul3A_2] : memref<32x16384xf32, #tpu.memory_space<hbm>> -> memref<32x512xf32, #tpu.memory_space<hbm>>
      %dma_start3A_156 = arith.constant 0 : i32
      %dma_start3A_157 = tpu.memref_slice %arg4[%dma_start3A_156, %mul3A_2] : memref<32x16384xf32, #tpu.memory_space<hbm>> -> memref<32x512xf32, #tpu.memory_space<hbm>>
      tpu.enqueue_dma source(%arg7 : memref<32x512xf32, #tpu.memory_space<vmem>>) target(%dma_start3A_157 : memref<32x512xf32, #tpu.memory_space<hbm>>) target_semaphore(%run_scoped3A : memref<!tpu.dma_semaphore, #tpu.memory_space<semaphore_mem>>)
      %dma_wait3A = arith.constant 0 : i32
      %dma_wait3A_158 = tpu.memref_slice %arg4[%dma_wait3A, %mul3A_2] : memref<32x16384xf32, #tpu.memory_space<hbm>> -> memref<32x512xf32, #tpu.memory_space<hbm>>
      %dma_wait3A_159 = arith.constant 0 : i32
      %dma_wait3A_160 = tpu.memref_slice %arg4[%dma_wait3A_159, %mul3A_2] : memref<32x16384xf32, #tpu.memory_space<hbm>> -> memref<32x512xf32, #tpu.memory_space<hbm>>
      tpu.wait_dma2 semaphore(%run_scoped3A : memref<!tpu.dma_semaphore, #tpu.memory_space<semaphore_mem>>) src(%arg7 : memref<32x512xf32, #tpu.memory_space<vmem>>) dst(%dma_wait3A_160 : memref<32x512xf32, #tpu.memory_space<hbm>>)
      tpu.yield
    }) : () -> ()
    return
  }
}

</mosaic_0001>

<sc_bundles>
// kernel: kernel.3.cloned.1.call-start
scs
__scs_entry_jumppad:
0x0: {  	(pc) =	sbr.rel $0x88, $3  }
0x1: {  	(tag) =	ssettag $0x0;
	lr =	simm.s32 $0x1  }
0x2: {  	[smem:$0x3F9F] =	sst lr;
	_ =	strace $0xD0000000  }
0x3: {  	_ = 	snop  }
0x4: {  	_ = 	snop  }
0x5: {  	_ = 	snop  }
0x6: {  	_ = 	snop  }
0x7: {  	_ = 	snop  }
__scs_overlays_trampoline_lowered:
0x8: {  	[smem:$0x3FAE] =	sst s0  }
0x9: {  	[smem:$0x3FAF] =	sst s1  }
0xa: {  	[smem:$0x3FB0] =	sst s2  }
0xb: {  	[smem:$0x3FB1] =	sst s3  }
0xc: {  	[smem:$0x3FB2] =	sst s4  }
0xd: {  	[smem:$0x3FB3] =	sst s5  }
0xe: {  	[smem:$0x3FB4] =	sst s6  }
0xf: {  	[smem:$0x3FB5] =	sst s7  }
0x10: {  	[smem:$0x3FB6] =	sst s8  }
0x11: {  	[smem:$0x3FB7] =	sst s9;
	s0 =	simm.s32 @!p0 $0x0  }
0x12: {  	s1 =	sld [smem:$0x3F9D];
	s0 =	simm.s32 @p0 $0x1  }
0x13: {  	[smem:$0x3FB8] =	sst s0;
	s0 =	simm.s32 @!p1 $0x0  }
0x14: {  	s2 =	sld [smem:$0x3F9C];
	s0 =	simm.s32 @p1 $0x1  }
0x15: {  	[smem:$0x3FB9] =	sst s0;
	s0 =	simm.s32 @!p2 $0x0  }
0x16: {  	s3 =	sld [smem:$0x3FDB];
	s0 =	simm.s32 @p2 $0x1  }
0x17: {  	s4 =	simm.s32 $0x1BF5;
	[smem:$0x3FBB] =	sst s0  }
0x18: {  	s0 =	sld [smem:$0x3F9E];
	_ =	swait.ge [sflag:s4], $0x0  }
0x19: {  	s7 =	sld [smem:$0x3F9F]  }
0x1a: {  	s8 =	sadd.s32 $0xFFFFE003, lr  }
0x1b: {  	s9 =	sadd.s32 $0xFFFFFEF7, lr;
	s5 =	simm.s32 $0xFFFFFFFF;
	p2 =	slt.u32 s8, $0xFFFFF086  }
0x1c: {  	p1 =	slt.u32 s9, $0xF7A;
	s5 =	simm.s32 @!p2 $0x0  }
0x1d: {  	s5 =	simm.s32 @p1 $0x1;
	p0 =	seq.s32 s7, s2  }
0x1e: {  	s7 =	smul.u32 @!p0 $0xF7A, s2;
	p2 =	seq.s32 @!p0 s5, $0x0  }
0x1f: {  	s9 =	smul.u32 $0xF7A, s1;
	s8 =	simm.s32 @!p0 $0x1BF5;
	p2 =	por !p2, p0  }
0x20: {  	[sflag:s8] =	ssyncset.s32 @!p0 $0xFFFFF086;
	s6 =	sadd.s32 @!p0 s3, s7;
	s7 =	simm.s32 @!p0 $0x108  }
0x21: {  	s3 =	sadd.s32 s3, s9;
	s6 =	sadd.s32 @!p0 $0x88, s6;
	s7 =	simm.s32 @p2 $0x1082  }
0x22: {  	[simem:s7], [sflag:s8] =	dma.local @!p0 [hbm:s6], $0xF7A  }
0x23: {  	s9 =	sor.u32 $0xD0000000, s2;
	s6 =	simm.s32 $0x108;
	_ =	swait.ge @!p0 [sflag:s8], $0x0  }
0x24: {  	s3 =	sadd.s32 $0x88, s3;
	s6 =	simm.s32 @!p1 $0x1082;
	[sflag:s4] =	ssyncset.s32 $0xFFFFF086  }
0x25: {  	[simem:s6], [sflag:s4] =	dma.local [hbm:s3], $0xF7A  }
0x26: {  	[smem:$0x3F9F] =	sst s1;
	(tag) =	ssettag s2;
	_ =	strace s9  }
0x27: {  	s1 =	sld [smem:$0x3FAF]  }
0x28: {  	s2 =	sld [smem:$0x3FB0]  }
0x29: {  	s4 =	sld [smem:$0x3FB2]  }
0x2a: {  	p0 =	seq.s32 s5, $0x0;
	s5 =	sld [smem:$0x3FB3]  }
0x2b: {  	s6 =	sld [smem:$0x3FB4]  }
0x2c: {  	s7 =	sld [smem:$0x3FB5]  }
0x2d: {  	s3 =	simm.s32 $0x108;
	s8 =	sld [smem:$0x3FB6]  }
0x2e: {  	s3 =	simm.s32 @!p0 $0x1082;
	s9 =	sld [smem:$0x3FB7]  }
0x2f: {  	lr =	sadd.s32 s0, s3;
	s0 =	sld [smem:$0x3FAE]  }
0x30: {  	s3 =	sld [smem:$0x3FB1]  }
0x31: {  	[smem:$0x3FBA] =	sst s10  }
0x32: {  	s10 =	sld [smem:$0x3FB8];
	_ =	sdelay $0x3  }
0x33: {  	p0 =	seq.s32 s10, $0x1;
	s10 =	sld [smem:$0x3FBA];
	_ =	sdelay $0x3  }
0x34: {  	[smem:$0x3FBA] =	sst s10  }
0x35: {  	s10 =	sld [smem:$0x3FB9];
	_ =	sdelay $0x3  }
0x36: {  	p1 =	seq.s32 s10, $0x1;
	s10 =	sld [smem:$0x3FBA];
	_ =	sdelay $0x3  }
0x37: {  	[smem:$0x3FBA] =	sst s10  }
0x38: {  	s10 =	sld [smem:$0x3FBB]  }
0x39: {  	_ = 	snop;
	(pc) =	sbr.ind lr, $3  }
0x3a: {  	_ = 	snop  }
0x3b: {  	_ = 	snop  }
0x3c: {  	p2 =	seq.s32 s10, $0x1;
	s10 =	sld [smem:$0x3FBA]  }
0x3d: {  	_ =	shalt  }
0x3e: {  	_ =	shalt  }
0x3f: {  	_ =	shalt  }
0x40: {  	_ =	shalt  }
0x41: {  	_ =	shalt  }
0x42: {  	_ =	shalt  }
0x43: {  	_ =	shalt  }
0x44: {  	_ =	shalt  }
0x45: {  	_ =	shalt  }
0x46: {  	_ =	shalt  }
0x47: {  	_ =	shalt  }
0x48: {  	_ =	shalt  }
0x49: {  	_ =	shalt  }
0x4a: {  	_ =	shalt  }
0x4b: {  	_ =	shalt  }
0x4c: {  	_ =	shalt  }
0x4d: {  	_ =	shalt  }
0x4e: {  	_ =	shalt  }
0x4f: {  	_ =	shalt  }
0x50: {  	_ =	shalt  }
0x51: {  	_ =	shalt  }
0x52: {  	_ =	shalt  }
0x53: {  	_ =	shalt  }
0x54: {  	_ =	shalt  }
0x55: {  	_ =	shalt  }
0x56: {  	_ =	shalt  }
0x57: {  	_ =	shalt  }
0x58: {  	_ =	shalt  }
0x59: {  	_ =	shalt  }
0x5a: {  	_ =	shalt  }
0x5b: {  	_ =	shalt  }
0x5c: {  	_ =	shalt  }
0x5d: {  	_ =	shalt  }
0x5e: {  	_ =	shalt  }
0x5f: {  	_ =	shalt  }
0x60: {  	_ =	shalt  }
0x61: {  	_ =	shalt  }
0x62: {  	_ =	shalt  }
0x63: {  	_ =	shalt  }
0x64: {  	_ =	shalt  }
0x65: {  	_ =	shalt  }
0x66: {  	_ =	shalt  }
0x67: {  	_ =	shalt  }
0x68: {  	_ =	shalt  }
0x69: {  	_ =	shalt  }
0x6a: {  	_ =	shalt  }
0x6b: {  	_ =	shalt  }
0x6c: {  	_ =	shalt  }
0x6d: {  	_ =	shalt  }
0x6e: {  	_ =	shalt  }
0x6f: {  	_ =	shalt  }
0x70: {  	_ =	shalt  }
0x71: {  	_ =	shalt  }
0x72: {  	_ =	shalt  }
0x73: {  	_ =	shalt  }
0x74: {  	_ =	shalt  }
0x75: {  	_ =	shalt  }
0x76: {  	_ =	shalt  }
0x77: {  	_ =	shalt  }
0x78: {  	_ =	shalt  }
0x79: {  	_ =	shalt  }
0x7a: {  	_ =	shalt  }
0x7b: {  	_ =	shalt  }
0x7c: {  	_ =	shalt  }
0x7d: {  	_ =	shalt  }
0x7e: {  	_ =	shalt  }
0x7f: {  	_ =	shalt  }
0x80: {  	_ =	shalt  }
0x81: {  	_ =	shalt  }
0x82: {  	_ =	shalt  }
0x83: {  	_ =	shalt  }
0x84: {  	_ =	shalt  }
0x85: {  	_ =	shalt  }
0x86: {  	_ =	shalt  }
0x87: {  	_ =	shalt  }
.Lfunc_end0:
.L_simem_size_0:
called_computation_lowered:
.L_overlay_start_0:
0x88: {  	s2 =	sld [smem:$0x3FD9]  }
0x89: {  	s3 =	sld [smem:$0x3FFE];
	_ =	sdelay $0x1  }
0x8a: {  	s1 =	srdreg.scid  }
0x8b: {  	s0 =	sand.u32 $0x1, s1  }
0x8c: {  	s18 =	sshll.u32 s0, $0xA;
	s2 =	sadd.s32 s3, s2  }
0x8d: {  	s2 =	sadd.s32 s2, s18  }
0x8e: {  	[smem:$0x3FC6] =	sst s2  }
0x8f: {  	_ = 	snop  }
0x90: {  	s2 =	sld [smem:$0x3FC9]  }
0x91: {  	s19 =	sld [smem:$0x3FC8]  }
0x92: {  	s4 =	sld [smem:$0x3FD0];
	(tm) =	ssettm $0x1  }
0x93: {  	s5 =	sld [smem:$0x3FFB];
	_ =	sdelay $0x3  }
0x94: {  	_ =	strace s5  }
0x95: {  	s5 =	sld [smem:$0x3FFC];
	_ =	sdelay $0x3  }
0x96: {  	_ =	strace s5  }
0x97: {  	s5 =	sld [smem:$0x3FFD];
	_ =	sdelay $0x3  }
0x98: {  	_ =	strace s5  }
0x99: {  	_ =	strace $0x8FFFFFFF  }
0x9a: {  	s20 =	sld [smem:$0x3FDB];
	_ =	sdelay $0x1  }
0x9b: {  	s6 =	simm.s32 $_scs_section_size  }
0x9c: {  	s7 =	simm.s32 $_size__tile_overlayer_lowered;
	s8 =	simm.s32 $_tile_overlayer_lowered  }
0x9d: {  	s23 =	simm.s32 $0x1BFF;
	s22 =	sshll.u32 s8, $0x1;
	s5 =	sadd.s32 s6, s20  }
0x9e: {  	s9 =	simm.s32 $0x0;
	s21 =	sshll.u32 s7, $0x1;
	s7 =	sadd.s32 s22, s5  }
0x9f: {  	[timem:s9], [sflag:s23] =	dma.local [hbm:s7], s21  }
0xa0: {  	_ =	swait.ge [sflag:s23], s21  }
0xa1: {  	s6 =	ssub.s32 $0x0, s21;
	[sflag:s23] =	ssyncset.done $0x0  }
0xa2: {  	[sflag:s23] =	ssyncadd.s32 s6;
	_ =	sdelay $0x1  }
0xa3: {  	s24 =	simm.s32 $0x1B8B  }
0xa4: {  	_ =	swait.ge [sflag:s24], $0x1  }
0xa5: {  	[sflag:s24] =	ssyncset.done $0x0  }
0xa6: {  	s25 =	simm.s32 $0x1B8E;
	[sflag:s24] =	ssyncadd.s32 $0xFFFFFFFF  }
0xa7: {  	s26 =	simm.s32 $execute0_lowered;
	[smem:$0x3FD2] =	sst s25  }
0xa8: {  	s6 =	sshll.u32 s26, $0x1;
	_ =	strace $0x80000046;
	[dreg:$0x1] =	wrdreg $0xFFFFFFFF  }
0xa9: {  	s28 =	simm.s32 $_size_execute0_lowered;
	s5 =	sadd.s32 s5, s6;
	[dreg:$0x0] =	wrdreg $0x0  }
0xaa: {  	s6 =	sshll.u32 s28, $0x1;
	[dreg:$0x2] =	wrdreg s5  }
0xab: {  	[dreg:$0x3] =	wrdreg s6  }
0xac: {  	[dreg:$0x4] =	wrdreg $0xC0  }
0xad: {  	_ =	task [dreg:s9], $0x5FFFF  }
0xae: {  	[dreg:$0x1] =	wrdreg $0xFFFFFFFF  }
0xaf: {  	[dreg:$0x0] =	wrdreg $0x60  }
0xb0: {  	[dreg:$0x2] =	wrdreg s2  }
0xb1: {  	[dreg:$0x3] =	wrdreg s19  }
0xb2: {  	[dreg:$0x4] =	wrdreg s4  }
0xb3: {  	[dreg:$0x5] =	wrdreg $0x9  }
0xb4: {  	_ =	task.clear_ibuf [dreg:s9], $0x6FFFF;
	_ =	strace $0x90000046  }
0xb5: {  	s29 =	simm.s32 $0x9;
	_ =	strace $0x80000048  }
0xb6: {  	_ =	swait.ge [sflag:s29], $0x1  }
0xb7: {  	[sflag:s29] =	ssyncadd.s32 $0xFFFFFFFF  }
0xb8: {  	_ =	strace $0x90000048  }
0xb9: {  	_ =	sfence  }
0xba: {  	s30 =	sld [smem:$0x0];
	_ =	sdelay $0x2  }
0xbb: {  	s31 =	sshll.u32 s1, $0xD;
	s1 =	sshrl.u32 s1, $0x2  }
0xbc: {  	s3 =	sand.u32 $0x4000, s31;
	s1 =	sadd.s32 s1, s30  }
0xbd: {  	s0 =	sor.u32 s3, s0;
	s1 =	sshll.u32 s1, $0x11  }
0xbe: {  	s0 =	sor.u32 s1, s0  }
0xbf: {  	s0 =	sadd.s32 $0x8F2B, s0  }
0xc0: {  	[sflag:s0] =	ssyncadd.remote.s32 $0x1  }
0xc1: {  	_ =	sfence.sel $0xFFFF  }
0xc2: {  	[dreg:$0x0] =	wrdreg $0xFFFFFFFF;
	(pc) =	sbr.abs _section_cstart, $3  }
0xc3: {  	[dreg:$0x1] =	wrdreg $0xFFFFFFFF  }
0xc4: {  	_ =	task.clear_ibuf [dreg:s9], $0x2FFFF;
	_ =	strace $0x9FFFFFFF  }
0xc5: {  	(tm) =	ssettm $0x7FFFFFFF  }
tec
execute0_lowered:
.L_overlay_start_1:
0x0: {  	(tag) =	ssettag $0x1  }
0x1: {  	v0 =	vlaneseq.u32;
	v1 =	vimm.s32 $0x1380  }
0x2: {  	s1 =	rddreg [dreg:$0x0];
	vm0 =	vcmask $0x300;
	v2 =	vimm.s32 $0x3380;
	vm1 =	vcmask $0x704  }
0x3: {  	s0 =	rddreg [dreg:$0x1];
	vm15 =	vcmask $0xB08;
	v1 =	vsel vm0, $0x0, v1;
	v2 =	vsel vm0, $0x2000, v2  }
0x4: {  	s2 =	rddreg [dreg:$0x2];
	vm4 =	vcmask $0xF0C;
	v1 =	vsel vm1, $0x80, v1;
	v2 =	vsel vm1, $0x2080, v2  }
0x5: {  	s3 =	srdreg.scid;
	s4 =	stileid.u32;
	vm5 =	vcmask $0x1310;
	v1 =	vsel vm15, $0x100, v1;
	v2 =	vsel vm15, $0x2100, v2  }
0x6: {  	s6 =	simm.s32 $0x0;
	vm6 =	vcmask $0x1714;
	s7 =	simm.s32 $0x9;
	s8 =	simm.s32 $0x7A1400;
	v1 =	vsel vm4, $0x180, v1;
	v2 =	vsel vm4, $0x2180, v2  }
0x7: {  	vm7 =	vcmask $0x1B18;
	s9 =	simm.s32 $0x400;
	s10 =	simm.s32 $0x280;
	s11 =	simm.s32 $0x1280;
	v1 =	vsel vm5, $0x200, v1;
	v2 =	vsel vm5, $0x2200, v2  }
0x8: {  	vm8 =	vcmask $0x1F1C;
	s12 =	simm.s32 $0x2280;
	s13 =	simm.s32 $0x3280;
	s14 =	simm.s32 $0x4280;
	v1 =	vsel vm6, $0x280, v1;
	v2 =	vsel vm6, $0x2280, v2  }
0x9: {  	vm9 =	vcmask $0x2320;
	s15 =	simm.s32 $0x5280;
	s16 =	simm.s32 $0x6280;
	s17 =	simm.s32 $0x7280;
	v1 =	vsel vm7, $0x300, v1;
	v2 =	vsel vm7, $0x2300, v2  }
0xa: {  	vm10 =	vcmask $0x2724;
	s18 =	simm.s32 $0x1;
	s19 =	simm.s32 $0x8280;
	s20 =	simm.s32 $0x2;
	v1 =	vsel vm8, $0x380, v1;
	v2 =	vsel vm8, $0x2380, v2  }
0xb: {  	vm11 =	vcmask $0x2B28;
	s21 =	simm.s32 $0x3;
	s22 =	simm.s32 $0x4;
	s23 =	simm.s32 $0x5;
	v1 =	vsel vm9, $0x1000, v1;
	v2 =	vsel vm9, $0x3000, v2  }
0xc: {  	vm12 =	vcmask $0x2F2C;
	s24 =	simm.s32 $0x6;
	s25 =	simm.s32 $0x7;
	s26 =	simm.s32 $0x8;
	v1 =	vsel vm10, $0x1080, v1;
	v2 =	vsel vm10, $0x3080, v2  }
.Ltmp0:
0xd: {  	vm13 =	vcmask $0x3330;
	s30 =	simm.s32 $0x0;
	s3 =	sand.u32 $0x1, s3;
	v1 =	vsel vm11, $0x1100, v1;
	v2 =	vsel vm11, $0x3100, v2;
	(pc) =	sbr.rel .LBB2_1-.Ltmp0, $4  }
0xe: {  	vm14 =	vcmask $0x3734;
	s4 =	sshll.u32 s4, $0xA;
	s5 =	sshll.u32 s3, $0x9;
	s3 =	ssub.s32 $0x2, s3;
	v1 =	vsel vm12, $0x1180, v1;
	v2 =	vsel vm12, $0x3180, v2  }
0xf: {  	v0 =	vmul.u32 $0x80, v0;
	[smem:$0x7FF] =	sst s6;
	s5 =	sor.u32 s5, s4;
	s29 =	sshrl.u32 s3, $0x1;
	v1 =	vsel vm13, $0x1200, v1;
	v2 =	vsel vm13, $0x3200, v2  }
0x10: {  	_ =	strace $0x80000047;
	vm15 =	vcmask $0x3B38;
	s31 =	sshrl.u32 s5, $0x3;
	s3 =	ssub.s32 s3, s29;
	v1 =	vsel vm14, $0x1280, v1;
	v3 =	vsel vm14, $0x3280, v2  }
0x11: {  	s5 =	sadd.s32 s2, s5;
	s4 =	sadd.s32 s1, s31;
	s6 =	smax.u32 s3, $0x1;
	v2 =	vor.u32 $0x800, v0;
	v1 =	vsel vm15, $0x1300, v1;
	v3 =	vsel vm15, $0x3300, v3  }
.LBB2_4:
0x12: {  	s30 =	sadd.s32 $0x1, s30  }
0x13: {  	p0 =	sne.s32 s30, s6  }
.Ltmp1:
0x14: {  	s1 =	simm.s32 $0x1000;
	s2 =	simm.s32 $0x20000;
	(pc) =	sbr.rel @!p0 .LBB2_5-.Ltmp1, $4  }
0x15: {  	[hbm4b:s5+s1] =	stream.strided.scatter [tilespmem:s19], [sflag:$0x9], $0x4000, s2, s1, $0x38;
	[tilespmem:$0xC280] =	vst v63  }
0x16: {  	_ =	swait.ge [sflag:s7], $0x4000  }
0x17: {  	[sflag:s7] =	ssyncset.done $0x0  }
0x18: {  	[sflag:s7] =	ssyncadd.s32 $0xFFFFC000  }
.LBB2_1:
0x19: {  	s1 =	simm.s32 $0x0  }
0x1a: {  	[tilespmem:s1], [sflag:$0x9] =	stream.linear.gather [hbm4b:s4+s1], $0x200, $0x38;
	[tilespmem:$0xC280] =	vst v63  }
0x1b: {  	_ =	swait.ge [sflag:s7], $0x200  }
0x1c: {  	[sflag:s7] =	ssyncset.done $0x0  }
0x1d: {  	[sflag:s7] =	ssyncadd.s32 $0xFFFFFE00  }
0x1e: {  	v4 =	vld [tilespmem:$0x0];
	_ =	sdelay $0x4  }
0x1f: {  	(v2sf) =	vpush v4, $0x0  }
0x20: {  	(v2sf) =	vpush v4, $0x1;
	_ =	sdelay $0x1  }
0x21: {  	(v2sf) =	vpush v4, $0x2;
	_ =	sdelay $0x4  }
0x22: {  	(v2sf) =	vpush v4, $0x3  }
0x23: {  	(v2sf) =	vpush v4, $0x4;
	_ =	sdelay $0x5  }
0x24: {  	s3 =	spop (v2sf);
	(v2sf) =	vpush v4, $0x5  }
0x25: {  	s28 =	spop (v2sf);
	(v2sf) =	vpush v4, $0x6  }
0x26: {  	s1 =	sand.u32 $0xFFFFF80, s3  }
0x27: {  	s1 =	sadd.s32 s0, s1;
	s29 =	spop (v2sf)  }
0x28: {  	(v2sf) =	vpush v4, $0x7;
	[tilespmem:s10], [sflag:$0x1] =	stream.strided.gather [hbm4b:s1+s9], $0x1000, s8, s9, $0x38;
	[tilespmem:$0xC280] =	vst v63  }
0x29: {  	s1 =	sand.u32 $0xFFFFF80, s28  }
0x2a: {  	s1 =	sadd.s32 s0, s1  }
0x2b: {  	[tilespmem:s11], [sflag:$0x2] =	stream.strided.gather [hbm4b:s1+s9], $0x1000, s8, s9, $0x38;
	[tilespmem:$0xC280] =	vst v63  }
0x2c: {  	s2 =	spop (v2sf);
	s1 =	sand.u32 $0xFFFFF80, s29  }
0x2d: {  	s2 =	sand.u32 $0xFFFFF80, s2;
	s3 =	spop (v2sf);
	s1 =	sadd.s32 s0, s1  }
0x2e: {  	[tilespmem:s12], [sflag:$0x3] =	stream.strided.gather [hbm4b:s1+s9], $0x1000, s8, s9, $0x38;
	[tilespmem:$0xC280] =	vst v63  }
0x2f: {  	s28 =	sand.u32 $0xFFFFF80, s3;
	s1 =	sadd.s32 s0, s2  }
0x30: {  	[tilespmem:s13], [sflag:$0x4] =	stream.strided.gather [hbm4b:s1+s9], $0x1000, s8, s9, $0x38;
	[tilespmem:$0xC280] =	vst v63  }
0x31: {  	s1 =	sadd.s32 s0, s28  }
0x32: {  	[tilespmem:s14], [sflag:$0x5] =	stream.strided.gather [hbm4b:s1+s9], $0x1000, s8, s9, $0x38;
	[tilespmem:$0xC280] =	vst v63  }
0x33: {  	s29 =	spop (v2sf)  }
0x34: {  	s2 =	sand.u32 $0xFFFFF80, s29;
	s3 =	spop (v2sf)  }
0x35: {  	s1 =	sadd.s32 s0, s2;
	s28 =	sand.u32 $0xFFFFF80, s3  }
0x36: {  	[tilespmem:s15], [sflag:$0x6] =	stream.strided.gather [hbm4b:s1+s9], $0x1000, s8, s9, $0x38;
	[tilespmem:$0xC280] =	vst v63  }
0x37: {  	s29 =	spop (v2sf);
	s1 =	sadd.s32 s0, s28  }
0x38: {  	[tilespmem:s16], [sflag:$0x7] =	stream.strided.gather [hbm4b:s1+s9], $0x1000, s8, s9, $0x38;
	[tilespmem:$0xC280] =	vst v63  }
0x39: {  	s1 =	sand.u32 $0xFFFFF80, s29  }
0x3a: {  	s1 =	sadd.s32 s0, s1  }
0x3b: {  	[tilespmem:s17], [sflag:$0x8] =	stream.strided.gather [hbm4b:s1+s9], $0x1000, s8, s9, $0x38;
	[tilespmem:$0xC280] =	vst v63  }
0x3c: {  	s31 =	simm.s32 $0x8;
	s1 =	simm.s32 $0x7  }
.LBB2_2:
0x3d: {  	v5 =	vld [tilespmem:s31+$0xFFFFFFF8];
	_ =	sdelay $0x3  }
0x3e: {  	v4 =	vld [tilespmem:s31+$0x0];
	_ =	swait.ge [sflag:s18], $0x1000  }
0x3f: {  	(v2sf) =	vpush v5, $0x0;
	_ =	sdelay $0xe  }
0x40: {  	p0 =	seq.s32 s1, $0x1FF;
	s2 =	spop (v2sf)  }
0x41: {  	(v2sf) =	vpush @!p0 v4, $0x0;
	s2 =	sand.u32 $0x7F, s2  }
0x42: {  	s3 =	sadd.s32 $0xFFFFFFF9, s1;
	v6 =	vor.u32 s2, v0  }
0x43: {  	v7 =	vmov s3  }
0x44: {  	v8 =	vshll.u32 v7, $0x3  }
0x45: {  	[sflag:s18] =	ssyncset.done $0x0;
	v7 =	vand.u32 $0x78, v7;
	v8 =	vand.u32 $0xFFFFFC00, v8  }
0x46: {  	[sflag:s18] =	ssyncadd.s32 $0xFFFFF000;
	v7 =	vor.u32 v7, v8  }
0x47: {  	v8 =	vadd.s32 v1, v7;
	v6 =	vld.idx.msk [tilespmem:v6+s10+$0x0], $0xffff  }
0x48: {  	v9 =	vor.u32 s2, v2;
	_ =	sdelay $0x3  }
0x49: {  	[tilespmem:v8+s19+$0x0] =	vst.idx.msk $0xffff, v6  }
0x4a: {  	v7 =	vadd.s32 v3, v7;
	v6 =	vld.idx.msk [tilespmem:v9+s10+$0x0], $0xffff;
	_ =	sdelay $0x2  }
0x4b: {  	s2 =	spop @!p0 (v2sf)  }
0x4c: {  	s3 =	simm.s32 @!p0 $0x7A1400;
	s2 =	sand.u32 @!p0 $0xFFFFF80, s2  }
0x4d: {  	s29 =	simm.s32 @!p0 $0x280;
	s28 =	sadd.s32 @!p0 s0, s2;
	s2 =	simm.s32 @!p0 $0x400;
	[tilespmem:v7+s19+$0x0] =	vst.idx.msk $0xffff, v6  }
0x4e: {  	[tilespmem:s29], [sflag:$0x1] =	stream.strided.gather @!p0 [hbm4b:s28+s2], $0x1000, s3, s2, $0x38;
	[tilespmem:$0xC280] =	vst v63  }
0x4f: {  	_ =	swait.ge [sflag:s20], $0x1000  }
0x50: {  	(v2sf) =	vpush v5, $0x1;
	_ =	sdelay $0xe  }
0x51: {  	s29 =	spop (v2sf)  }
0x52: {  	(v2sf) =	vpush @!p0 v4, $0x1;
	s28 =	sand.u32 $0x7F, s29  }
0x53: {  	s29 =	sadd.s32 $0xFFFFFFFA, s1;
	v6 =	vor.u32 s28, v0  }
0x54: {  	v7 =	vmov s29  }
0x55: {  	v51 =	vshll.u32 v7, $0x3  }
0x56: {  	[sflag:s20] =	ssyncset.done $0x0;
	v7 =	vand.u32 $0x79, v7;
	v8 =	vand.u32 $0xFFFFFC00, v51  }
0x57: {  	[sflag:s20] =	ssyncadd.s32 $0xFFFFF000;
	v7 =	vor.u32 v7, v8  }
0x58: {  	v8 =	vadd.s32 v1, v7;
	v6 =	vld.idx.msk [tilespmem:v6+s11+$0x0], $0xffff  }
0x59: {  	v52 =	vor.u32 s28, v2;
	_ =	sdelay $0x3  }
0x5a: {  	[tilespmem:v8+s19+$0x0] =	vst.idx.msk $0xffff, v6  }
0x5b: {  	v7 =	vadd.s32 v3, v7;
	v6 =	vld.idx.msk [tilespmem:v52+s11+$0x0], $0xffff;
	_ =	sdelay $0x2  }
0x5c: {  	s28 =	spop @!p0 (v2sf)  }
0x5d: {  	s28 =	sand.u32 @!p0 $0xFFFFF80, s28  }
0x5e: {  	s29 =	simm.s32 @!p0 $0x1280;
	s28 =	sadd.s32 @!p0 s0, s28;
	[tilespmem:v7+s19+$0x0] =	vst.idx.msk $0xffff, v6  }
0x5f: {  	[tilespmem:s29], [sflag:$0x2] =	stream.strided.gather @!p0 [hbm4b:s28+s2], $0x1000, s3, s2, $0x38;
	[tilespmem:$0xC280] =	vst v63  }
0x60: {  	_ =	swait.ge [sflag:s21], $0x1000  }
0x61: {  	(v2sf) =	vpush v5, $0x2;
	_ =	sdelay $0xe  }
0x62: {  	s29 =	spop (v2sf)  }
0x63: {  	(v2sf) =	vpush @!p0 v4, $0x2;
	s28 =	sand.u32 $0x7F, s29  }
0x64: {  	s29 =	sadd.s32 $0xFFFFFFFB, s1;
	v6 =	vor.u32 s28, v0  }
0x65: {  	v7 =	vmov s29  }
0x66: {  	v53 =	vshll.u32 v7, $0x3  }
0x67: {  	[sflag:s21] =	ssyncset.done $0x0;
	v7 =	vand.u32 $0x7A, v7;
	v8 =	vand.u32 $0xFFFFFC00, v53  }
0x68: {  	[sflag:s21] =	ssyncadd.s32 $0xFFFFF000;
	v7 =	vor.u32 v7, v8  }
0x69: {  	v8 =	vadd.s32 v1, v7;
	v6 =	vld.idx.msk [tilespmem:v6+s12+$0x0], $0xffff  }
0x6a: {  	v54 =	vor.u32 s28, v2;
	_ =	sdelay $0x3  }
0x6b: {  	[tilespmem:v8+s19+$0x0] =	vst.idx.msk $0xffff, v6  }
0x6c: {  	v7 =	vadd.s32 v3, v7;
	v6 =	vld.idx.msk [tilespmem:v54+s12+$0x0], $0xffff;
	_ =	sdelay $0x2  }
0x6d: {  	s28 =	spop @!p0 (v2sf)  }
0x6e: {  	s28 =	sand.u32 @!p0 $0xFFFFF80, s28  }
0x6f: {  	s29 =	simm.s32 @!p0 $0x2280;
	s28 =	sadd.s32 @!p0 s0, s28;
	[tilespmem:v7+s19+$0x0] =	vst.idx.msk $0xffff, v6  }
0x70: {  	[tilespmem:s29], [sflag:$0x3] =	stream.strided.gather @!p0 [hbm4b:s28+s2], $0x1000, s3, s2, $0x38;
	[tilespmem:$0xC280] =	vst v63  }
0x71: {  	_ =	swait.ge [sflag:s22], $0x1000  }
0x72: {  	(v2sf) =	vpush v5, $0x3;
	_ =	sdelay $0xe  }
0x73: {  	s29 =	spop (v2sf)  }
0x74: {  	(v2sf) =	vpush @!p0 v4, $0x3;
	s28 =	sand.u32 $0x7F, s29  }
0x75: {  	s29 =	sadd.s32 $0xFFFFFFFC, s1;
	v6 =	vor.u32 s28, v0  }
0x76: {  	v7 =	vmov s29  }
0x77: {  	v55 =	vshll.u32 v7, $0x3  }
0x78: {  	[sflag:s22] =	ssyncset.done $0x0;
	v7 =	vand.u32 $0x7B, v7;
	v8 =	vand.u32 $0xFFFFFC00, v55  }
0x79: {  	[sflag:s22] =	ssyncadd.s32 $0xFFFFF000;
	v7 =	vor.u32 v7, v8  }
0x7a: {  	v8 =	vadd.s32 v1, v7;
	v6 =	vld.idx.msk [tilespmem:v6+s13+$0x0], $0xffff  }
0x7b: {  	v56 =	vor.u32 s28, v2;
	_ =	sdelay $0x3  }
0x7c: {  	[tilespmem:v8+s19+$0x0] =	vst.idx.msk $0xffff, v6  }
0x7d: {  	v7 =	vadd.s32 v3, v7;
	v6 =	vld.idx.msk [tilespmem:v56+s13+$0x0], $0xffff;
	_ =	sdelay $0x2  }
0x7e: {  	s28 =	spop @!p0 (v2sf)  }
0x7f: {  	s28 =	sand.u32 @!p0 $0xFFFFF80, s28  }
0x80: {  	s29 =	simm.s32 @!p0 $0x3280;
	s28 =	sadd.s32 @!p0 s0, s28;
	[tilespmem:v7+s19+$0x0] =	vst.idx.msk $0xffff, v6  }
0x81: {  	[tilespmem:s29], [sflag:$0x4] =	stream.strided.gather @!p0 [hbm4b:s28+s2], $0x1000, s3, s2, $0x38;
	[tilespmem:$0xC280] =	vst v63  }
0x82: {  	_ =	swait.ge [sflag:s23], $0x1000  }
0x83: {  	(v2sf) =	vpush v5, $0x4;
	_ =	sdelay $0xe  }
0x84: {  	s29 =	spop (v2sf)  }
0x85: {  	(v2sf) =	vpush @!p0 v4, $0x4;
	s28 =	sand.u32 $0x7F, s29  }
0x86: {  	s29 =	sadd.s32 $0xFFFFFFFD, s1;
	v6 =	vor.u32 s28, v0  }
0x87: {  	v7 =	vmov s29  }
0x88: {  	v57 =	vshll.u32 v7, $0x3  }
0x89: {  	[sflag:s23] =	ssyncset.done $0x0;
	v7 =	vand.u32 $0x7C, v7;
	v8 =	vand.u32 $0xFFFFFC00, v57  }
0x8a: {  	[sflag:s23] =	ssyncadd.s32 $0xFFFFF000;
	v7 =	vor.u32 v7, v8  }
0x8b: {  	v8 =	vadd.s32 v1, v7;
	v6 =	vld.idx.msk [tilespmem:v6+s14+$0x0], $0xffff  }
0x8c: {  	v58 =	vor.u32 s28, v2;
	_ =	sdelay $0x3  }
0x8d: {  	[tilespmem:v8+s19+$0x0] =	vst.idx.msk $0xffff, v6  }
0x8e: {  	v7 =	vadd.s32 v3, v7;
	v6 =	vld.idx.msk [tilespmem:v58+s14+$0x0], $0xffff;
	_ =	sdelay $0x2  }
0x8f: {  	s28 =	spop @!p0 (v2sf)  }
0x90: {  	s28 =	sand.u32 @!p0 $0xFFFFF80, s28  }
0x91: {  	s29 =	simm.s32 @!p0 $0x4280;
	s28 =	sadd.s32 @!p0 s0, s28;
	[tilespmem:v7+s19+$0x0] =	vst.idx.msk $0xffff, v6  }
0x92: {  	[tilespmem:s29], [sflag:$0x5] =	stream.strided.gather @!p0 [hbm4b:s28+s2], $0x1000, s3, s2, $0x38;
	[tilespmem:$0xC280] =	vst v63  }
0x93: {  	_ =	swait.ge [sflag:s24], $0x1000  }
0x94: {  	(v2sf) =	vpush v5, $0x5;
	_ =	sdelay $0xe  }
0x95: {  	s29 =	spop (v2sf)  }
0x96: {  	(v2sf) =	vpush @!p0 v4, $0x5;
	s28 =	sand.u32 $0x7F, s29  }
0x97: {  	s29 =	sadd.s32 $0xFFFFFFFE, s1;
	v6 =	vor.u32 s28, v0  }
0x98: {  	v7 =	vmov s29  }
0x99: {  	v59 =	vshll.u32 v7, $0x3  }
0x9a: {  	[sflag:s24] =	ssyncset.done $0x0;
	v7 =	vand.u32 $0x7D, v7;
	v8 =	vand.u32 $0xFFFFFC00, v59  }
0x9b: {  	[sflag:s24] =	ssyncadd.s32 $0xFFFFF000;
	v7 =	vor.u32 v7, v8  }
0x9c: {  	v8 =	vadd.s32 v1, v7;
	v6 =	vld.idx.msk [tilespmem:v6+s15+$0x0], $0xffff  }
0x9d: {  	v60 =	vor.u32 s28, v2;
	_ =	sdelay $0x3  }
0x9e: {  	[tilespmem:v8+s19+$0x0] =	vst.idx.msk $0xffff, v6  }
0x9f: {  	v7 =	vadd.s32 v3, v7;
	v6 =	vld.idx.msk [tilespmem:v60+s15+$0x0], $0xffff;
	_ =	sdelay $0x2  }
0xa0: {  	s28 =	spop @!p0 (v2sf)  }
0xa1: {  	s28 =	sand.u32 @!p0 $0xFFFFF80, s28  }
0xa2: {  	s29 =	simm.s32 @!p0 $0x5280;
	s28 =	sadd.s32 @!p0 s0, s28;
	[tilespmem:v7+s19+$0x0] =	vst.idx.msk $0xffff, v6  }
0xa3: {  	[tilespmem:s29], [sflag:$0x6] =	stream.strided.gather @!p0 [hbm4b:s28+s2], $0x1000, s3, s2, $0x38;
	[tilespmem:$0xC280] =	vst v63  }
0xa4: {  	_ =	swait.ge [sflag:s25], $0x1000  }
0xa5: {  	(v2sf) =	vpush v5, $0x6;
	_ =	sdelay $0xe  }
0xa6: {  	s29 =	spop (v2sf)  }
0xa7: {  	(v2sf) =	vpush @!p0 v4, $0x6;
	s28 =	sand.u32 $0x7F, s29  }
0xa8: {  	s29 =	sadd.s32 $0xFFFFFFFF, s1;
	v6 =	vor.u32 s28, v0  }
0xa9: {  	v7 =	vmov s29  }
0xaa: {  	v61 =	vshll.u32 v7, $0x3  }
0xab: {  	[sflag:s25] =	ssyncset.done $0x0;
	v7 =	vand.u32 $0x7E, v7;
	v8 =	vand.u32 $0xFFFFFC00, v61  }
0xac: {  	[sflag:s25] =	ssyncadd.s32 $0xFFFFF000;
	v7 =	vor.u32 v7, v8  }
0xad: {  	v8 =	vadd.s32 v1, v7;
	v6 =	vld.idx.msk [tilespmem:v6+s16+$0x0], $0xffff  }
0xae: {  	v62 =	vor.u32 s28, v2;
	_ =	sdelay $0x3  }
0xaf: {  	[tilespmem:v8+s19+$0x0] =	vst.idx.msk $0xffff, v6  }
0xb0: {  	v7 =	vadd.s32 v3, v7;
	v6 =	vld.idx.msk [tilespmem:v62+s16+$0x0], $0xffff;
	_ =	sdelay $0x2  }
0xb1: {  	s28 =	spop @!p0 (v2sf)  }
0xb2: {  	s28 =	sand.u32 @!p0 $0xFFFFF80, s28  }
0xb3: {  	s29 =	simm.s32 @!p0 $0x6280;
	s28 =	sadd.s32 @!p0 s0, s28;
	[tilespmem:v7+s19+$0x0] =	vst.idx.msk $0xffff, v6  }
0xb4: {  	[tilespmem:s29], [sflag:$0x7] =	stream.strided.gather @!p0 [hbm4b:s28+s2], $0x1000, s3, s2, $0x38;
	[tilespmem:$0xC280] =	vst v63  }
0xb5: {  	_ =	swait.ge [sflag:s26], $0x1000  }
0xb6: {  	(v2sf) =	vpush v5, $0x7;
	_ =	sdelay $0xe  }
0xb7: {  	s29 =	spop (v2sf)  }
0xb8: {  	s2 =	sand.u32 $0x7F, s29  }
0xb9: {  	v5 =	vor.u32 s2, v0  }
0xba: {  	v6 =	vmov s1  }
0xbb: {  	v7 =	vshll.u32 v6, $0x3  }
0xbc: {  	v6 =	vand.u32 $0x7F, v6;
	v7 =	vand.u32 $0xFFFFFC00, v7;
	[sflag:s26] =	ssyncset.done $0x0  }
0xbd: {  	v6 =	vor.u32 v6, v7;
	[sflag:s26] =	ssyncadd.s32 $0xFFFFF000  }
0xbe: {  	v7 =	vadd.s32 v1, v6;
	v5 =	vld.idx.msk [tilespmem:v5+s17+$0x0], $0xffff  }
0xbf: {  	v63 =	vor.u32 s2, v2;
	_ =	sdelay $0x3  }
0xc0: {  	[tilespmem:v7+s19+$0x0] =	vst.idx.msk $0xffff, v5  }
0xc1: {  	v6 =	vadd.s32 v3, v6;
	v5 =	vld.idx.msk [tilespmem:v63+s17+$0x0], $0xffff  }
.Ltmp2:
0xc2: {  	_ = 	snop;
	(pc) =	sbr.rel @p0 .LBB2_4-.Ltmp2, $2  }
0xc3: {  	_ =	sdelay $0x2  }
0xc4: {  	[tilespmem:v6+s19+$0x0] =	vst.idx.msk $0xffff, v5  }
0xc5: {  	(v2sf) =	vpush v4, $0x7;
	_ =	sdelay $0xd  }
.Ltmp3:
0xc6: {  	_ = 	snop;
	(pc) =	sbr.rel .LBB2_2-.Ltmp3, $4  }
0xc7: {  	s2 =	spop (v2sf)  }
0xc8: {  	s2 =	sand.u32 $0xFFFFF80, s2  }
0xc9: {  	s1 =	sadd.s32 $0x8, s1;
	s31 =	sadd.s32 $0x8, s31;
	s2 =	sadd.s32 s0, s2  }
0xca: {  	[tilespmem:s17], [sflag:$0x8] =	stream.strided.gather [hbm4b:s2+s9], $0x1000, s8, s9, $0x38;
	[tilespmem:$0xC280] =	vst v63  }
.LBB2_5:
0xcb: {  	_ =	sfence.sel $0x180000  }
0xcc: {  	[bflag:$0x0] =	sbarrier.arrive $0xFFFF  }
0xcd: {  	_ =	strace $0x90000047  }
0xce: {  	s0 =	stileid.u32;
	[bflag:$0x2] =	sbarrier.arrive $0xFFFF  }
0xcf: {  	p0 =	sne.s32 s0, $0x0;
	s0 =	rddreg [dreg:$0x3]  }
0xd0: {  	s0 =	sadd.s32 @!p0 $0x100000, s0  }
0xd1: {  	[sflag:s0] =	ssyncadd.tile.s32 @!p0 $0x1;
	_ =	shalt  }
.Lfunc_end2:
_tile_overlayer_lowered:
.L_overlay_start_2:
0xd2: {  	(tag) =	ssettag $0x2  }
0xd3: {  	s0 =	rddreg [dreg:$0x0];
	s2 =	stileid.u32  }
0xd4: {  	s1 =	rddreg [dreg:$0x1];
	p0 =	sne.s32 s2, $0x0  }
0xd5: {  	s3 =	rddreg [dreg:$0x2];
	[bflag:$0x3] =	sbarrier.arrive $0xFFFF;
	s2 =	simm.s32 @!p0 $0x1C09  }
0xd6: {  	[timem:s3], [sflag:s2] =	dma.local @!p0 [hbm:s0], s1  }
0xd7: {  	s0 =	simm.s32 @!p0 $0x9  }
0xd8: {  	_ =	swait.ge @!p0 [sflag:s0], s1  }
0xd9: {  	s1 =	ssub.s32 @!p0 $0x0, s1;
	[sflag:s0] =	ssyncset.done @!p0 $0x0  }
0xda: {  	[sflag:s0] =	ssyncadd.s32 @!p0 s1  }
0xdb: {  	[bflag:$0x3] =	sbarrier.arrive $0xFFFF  }
0xdc: {  	_ =	shalt  }

</sc_bundles>
